<compile_context>
chip_gen: v7x
topology: tpu7x:2x2x1
jax: 0.10.2.dev20260603
libtpu: 0.0.44.dev20260713+nightly
codegen_flags: <defaults>
</compile_context>

<pallas_src>
import functools

import jax
import jax.numpy as jnp
from jax import lax
from jax.experimental import pallas as pl
from jax.experimental.pallas import tpu as pltpu
from jax.experimental.pallas import tpu_sc as plsc


@functools.lru_cache(maxsize=None)
def _make_sc_pair_gather(V2, D2, B):
    info = plsc.get_sparse_core_info()
    NC, NS = info.num_cores, info.num_subcores
    NW = NC * NS
    assert B % NW == 0 and (B // NW) % 8 == 0
    b_per_w = B // NW
    mesh = plsc.VectorSubcoreMesh(core_axis_name="c", subcore_axis_name="s")

    @functools.partial(
        pl.kernel,
        mesh=mesh,
        out_type=jax.ShapeDtypeStruct((B, D2), jnp.float32),
        scratch_types=[
            pltpu.VMEM((b_per_w,), jnp.int32),
            pltpu.VMEM((b_per_w, D2), jnp.float32),
            pltpu.SemaphoreType.DMA,
        ],
    )
    def gather_k(idx_hbm, table_hbm, out_hbm, idx_v, rows_v, sem):
        wid = lax.axis_index("s") * NC + lax.axis_index("c")
        base = wid * b_per_w
        pltpu.sync_copy(idx_hbm.at[pl.ds(base, b_per_w)], idx_v)
        for k in range(b_per_w // 16):
            sl = pl.ds(k * 16, 16)
            idx_v[sl] = lax.shift_right_logical(idx_v[sl], 1)
        pltpu.async_copy(table_hbm.at[idx_v], rows_v, sem).wait()
        pltpu.sync_copy(rows_v, out_hbm.at[pl.ds(base, b_per_w)])

    return gather_k


@functools.lru_cache(maxsize=None)
def _make_tc_matmul(B, D, V, TN, KS):
    NB = pl.cdiv(V, TN)
    RS = B // KS
    TAIL = V - (NB - 1) * TN
    assert NB >= 3 and TAIL % 8 == 0 and (NB - 1) * TN % 128 == 0

    def body(x2_hbm, ids_hbm, h_hbm, o_hbm,
             x2_v, ids_v, xsel_v, h_v, o_v, o_tail_v,
             sem_x, sem_i, sem_h, sem_o):
        j = pl.program_id(0)
        nb = pl.num_programs(0)
        buf = lax.rem(j, 2)

        def h_copy(slot, base, width):
            return pltpu.make_async_copy(
                h_hbm.at[pl.ds(base, width)],
                h_v.at[slot, pl.ds(0, width)],
                sem_h.at[slot])

        def o_copy(slot, s, base, width):
            return pltpu.make_async_copy(
                o_v.at[slot, pl.ds(s * RS, RS), pl.ds(0, width)],
                o_hbm.at[pl.ds(s * RS, RS), pl.ds(base, width)],
                sem_o.at[slot, s])

        def o_tail_copy(s):
            return pltpu.make_async_copy(
                o_tail_v.at[pl.ds(s * RS, RS)],
                o_hbm.at[pl.ds(s * RS, RS), pl.ds((NB - 1) * TN, TAIL)],
                sem_o.at[lax.rem(NB - 1, 2), s])

        @pl.when(j == 0)
        def _prologue():
            cx = pltpu.make_async_copy(x2_hbm, x2_v, sem_x)
            ci = pltpu.make_async_copy(ids_hbm, ids_v, sem_i)
            cx.start()
            ci.start()
            h_copy(0, 0, TN).start()
            cx.wait()
            ci.wait()
            odd = (ids_v[...] & 1) == 1
            xsel_v[...] = jnp.where(
                odd, x2_v[:, D:2 * D], x2_v[:, :D]).astype(jnp.bfloat16)

        @pl.when(j + 1 < nb - 1)
        def _prefetch_full():
            h_copy(lax.rem(j + 1, 2), (j + 1) * TN, TN).start()

        @pl.when(j + 1 == nb - 1)
        def _prefetch_tail():
            h_copy(lax.rem(j + 1, 2), (nb - 1) * TN, TAIL).start()

        @pl.when(j < nb - 1)
        def _wait_full():
            h_copy(buf, j * TN, TN).wait()

        @pl.when(j == nb - 1)
        def _wait_tail():
            h_copy(buf, (nb - 1) * TN, TAIL).wait()

        @pl.when(j >= 2)
        def _drain_prev():
            for s in range(KS):
                o_copy(buf, s, 0, TN).wait()

        @pl.when(j < nb - 1)
        def _compute_and_issue_full():
            o_v[buf] = lax.dot_general(
                xsel_v[...], h_v[buf],
                dimension_numbers=(((1,), (1,)), ((), ())),
                preferred_element_type=jnp.float32)
            for s in range(KS):
                o_copy(buf, s, j * TN, TN).start()

        @pl.when(j == nb - 1)
        def _compute_tail_and_drain_all():
            o_tail_v[...] = lax.dot_general(
                xsel_v[...], h_v[buf, pl.ds(0, TAIL)],
                dimension_numbers=(((1,), (1,)), ((), ())),
                preferred_element_type=jnp.float32)
            for s in range(KS):
                o_tail_copy(s).start()
            for s in range(KS):
                o_tail_copy(s).wait()
            for s in range(KS):
                o_copy(1 - buf, s, 0, TN).wait()

    return pl.pallas_call(
        body,
        grid=(NB,),
        in_specs=[
            pl.BlockSpec(memory_space=pltpu.MemorySpace.HBM),
            pl.BlockSpec(memory_space=pltpu.MemorySpace.HBM),
            pl.BlockSpec(memory_space=pltpu.MemorySpace.HBM),
        ],
        out_specs=pl.BlockSpec(memory_space=pltpu.MemorySpace.HBM),
        out_shape=jax.ShapeDtypeStruct((B, V), jnp.float32),
        scratch_shapes=[
            pltpu.VMEM((B, 2 * D), jnp.float32),
            pltpu.VMEM((B, 1), jnp.int32),
            pltpu.VMEM((B, D), jnp.bfloat16),
            pltpu.VMEM((2, TN, D), jnp.bfloat16),
            pltpu.VMEM((2, B, TN), jnp.float32),
            pltpu.VMEM((B, TAIL), jnp.float32),
            pltpu.SemaphoreType.DMA,
            pltpu.SemaphoreType.DMA,
            pltpu.SemaphoreType.DMA((2,)),
            pltpu.SemaphoreType.DMA((2, KS)),
        ],
        compiler_params=pltpu.CompilerParams(
            dimension_semantics=("arbitrary",),
        ),
    )


def kernel(input_ids, embed_weight, head_weight):
    B = input_ids.shape[0]
    V, D = embed_weight.shape
    ids = input_ids.astype(jnp.int32)
    table2 = embed_weight.reshape(V // 2, 2 * D)
    x2 = _make_sc_pair_gather(V // 2, 2 * D, B)(ids, table2)
    head_bf = head_weight.astype(jnp.bfloat16)
    return _make_tc_matmul(B, D, V, 1024, 8)(
        x2, ids.reshape(B, 1), head_bf)

# --- scband reference (transcript-rebuilt; emitter-appended) ---
"""Pipeline reference for scband-mock-lm-65687229825718 (READ-ONLY COPY).

The authoritative reference and input builder live on the scoring server;
editing this copy changes nothing except your own understanding.
"""

import jax, jax.numpy as jnp
import numpy as np

VOCAB = 100000
D_MODEL = 64
BATCH = 1024

def setup_inputs(seed: int = 0) -> dict:
    key = jax.random.key(seed)
    k_idx, k_emb, k_head = jax.random.split(key, 3)
    input_ids = jax.random.randint(k_idx, (BATCH,), 0, VOCAB, dtype=jnp.int64 if jax.config.jax_enable_x64 else jnp.int32)
    # nn.Embedding default init: N(0, 1)
    embed_weight = jax.random.normal(k_emb, (VOCAB, D_MODEL), dtype=jnp.float32)
    # nn.Linear(d_model, vocab, bias=False): weight shape [vocab, d_model], kaiming-uniform-ish
    bound = 1.0 / np.sqrt(D_MODEL)
    head_weight = jax.random.uniform(k_head, (VOCAB, D_MODEL), dtype=jnp.float32, minval=-bound, maxval=bound)
    return {"input_ids": input_ids, "embed_weight": embed_weight, "head_weight": head_weight}

def reference(input_ids, embed_weight, head_weight):
    # x = self.embed(input_ids)  -> gather rows from embedding table
    x = jnp.take(embed_weight, input_ids, axis=0)  # [B, d_model]
    # logits = self.head(x)  -> x @ W^T  (Linear, bias=False)
    logits = x @ head_weight.T  # [B, vocab]
    # original returns (None, logits, None); we return the logits array
    return logits

if __name__ == "__main__":
    import jax
    _d = setup_inputs()
    print(jax.jit(kernel)(*tuple(_d.values())))

</pallas_src>

<mosaic_0001>
#map = affine_map<(d0, d1) -> (0)>
#map1 = affine_map<(d0, d1) -> (0, 0)>
module attributes {stable_mosaic.version = 14 : i64} {
  func.func @gather_k(%arg0: i32, %arg1: i32, %arg2: memref<1024xi32, #tpu.memory_space<hbm>>, %arg3: memref<50000x128xf32, #tpu.memory_space<hbm>>, %arg4: memref<1024x128xf32, #tpu.memory_space<hbm>>, %arg5: memref<32xi32, #tpu.memory_space<vmem>>, %arg6: memref<32x128xf32, #tpu.memory_space<vmem>>, %arg7: memref<!tpu.dma_semaphore, #tpu.memory_space<semaphore_mem>>) attributes {dimension_semantics = [#tpu.dimension_semantics<core_parallel>, #tpu.dimension_semantics<subcore_parallel>], iteration_bounds = array<i64: 2, 16>, scalar_prefetch = 0 : i64, scratch_operands = 3 : i64, tpu.core_type = #tpu.core_type<sc_vector_subcore>, window_params = [{transform_indices = #map}, {transform_indices = #map1}, {transform_indices = #map1}]} {
    %mul3A = arith.constant 2 : i32
    %mul3A_0 = arith.muli %arg1, %mul3A : i32
    %add3A = arith.addi %mul3A_0, %arg0 : i32
    %mul3A_1 = arith.constant 32 : i32
    %mul3A_2 = arith.muli %add3A, %mul3A_1 : i32
    "tpu.region"() ({
      %run_scoped3A = tpu.sem_alloc : memref<!tpu.dma_semaphore, #tpu.memory_space<semaphore_mem>>
      %dma_start3A_24 = tpu.memref_slice %arg2[%mul3A_2] : memref<1024xi32, #tpu.memory_space<hbm>> -> memref<32xi32, #tpu.memory_space<hbm>>
      %dma_start3A_25 = tpu.memref_slice %arg2[%mul3A_2] : memref<1024xi32, #tpu.memory_space<hbm>> -> memref<32xi32, #tpu.memory_space<hbm>>
      tpu.enqueue_dma source(%dma_start3A_25 : memref<32xi32, #tpu.memory_space<hbm>>) target(%arg5 : memref<32xi32, #tpu.memory_space<vmem>>) target_semaphore(%run_scoped3A : memref<!tpu.dma_semaphore, #tpu.memory_space<semaphore_mem>>)
      %dma_wait3A_26 = tpu.memref_slice %arg2[%mul3A_2] : memref<1024xi32, #tpu.memory_space<hbm>> -> memref<32xi32, #tpu.memory_space<hbm>>
      %dma_wait3A_27 = tpu.memref_slice %arg2[%mul3A_2] : memref<1024xi32, #tpu.memory_space<hbm>> -> memref<32xi32, #tpu.memory_space<hbm>>
      tpu.wait_dma2 semaphore(%run_scoped3A : memref<!tpu.dma_semaphore, #tpu.memory_space<semaphore_mem>>) src(%dma_wait3A_27 : memref<32xi32, #tpu.memory_space<hbm>>) dst(%arg5 : memref<32xi32, #tpu.memory_space<vmem>>)
      tpu.yield
    }) : () -> ()
    %get3A = arith.constant 0 : index
    %get3A_3 = tpu.vector_load %arg5[%get3A] {strides = array<i32>} : memref<32xi32, #tpu.memory_space<vmem>>, vector<16xi32>,
    %get3A_4 = vector.shape_cast %get3A_3 : vector<16xi32> to vector<16xi32>
    %shift_right_logical3A = arith.constant 1 : i32
    %shift_right_logical3A_5 = vector.broadcast %shift_right_logical3A : i32 to vector<16xi32>
    %shift_right_logical3A_6 = arith.shrui %get3A_4, %shift_right_logical3A_5 : vector<16xi32>
    %swap3A = arith.constant 0 : index
    %swap3A_7 = tpu.vector_load %arg5[%swap3A] {strides = array<i32>} : memref<32xi32, #tpu.memory_space<vmem>>, vector<16xi32>,
    %swap3A_8 = vector.shape_cast %swap3A_7 : vector<16xi32> to vector<16xi32>
    %swap3A_9 = vector.shape_cast %shift_right_logical3A_6 : vector<16xi32> to vector<16xi32>
    tpu.vector_store %arg5[%swap3A], %swap3A_9 {strides = array<i32>} : memref<32xi32, #tpu.memory_space<vmem>>, vector<16xi32>,
    %get3A_10 = arith.constant 16 : index
    %get3A_11 = tpu.vector_load %arg5[%get3A_10] {strides = array<i32>} : memref<32xi32, #tpu.memory_space<vmem>>, vector<16xi32>,
    %get3A_12 = vector.shape_cast %get3A_11 : vector<16xi32> to vector<16xi32>
    %shift_right_logical3A_13 = arith.constant 1 : i32
    %shift_right_logical3A_14 = vector.broadcast %shift_right_logical3A_13 : i32 to vector<16xi32>
    %shift_right_logical3A_15 = arith.shrui %get3A_12, %shift_right_logical3A_14 : vector<16xi32>
    %swap3A_16 = arith.constant 16 : index
    %swap3A_17 = tpu.vector_load %arg5[%swap3A_16] {strides = array<i32>} : memref<32xi32, #tpu.memory_space<vmem>>, vector<16xi32>,
    %swap3A_18 = vector.shape_cast %swap3A_17 : vector<16xi32> to vector<16xi32>
    %swap3A_19 = vector.shape_cast %shift_right_logical3A_15 : vector<16xi32> to vector<16xi32>
    tpu.vector_store %arg5[%swap3A_16], %swap3A_19 {strides = array<i32>} : memref<32xi32, #tpu.memory_space<vmem>>, vector<16xi32>,
    %dma_start3A = arith.constant 0 : i32
    %dma_start3A_20 = arith.constant 0 : i32
    %dma_start3A_21 = tpu.memref_slice %arg3[%dma_start3A, %dma_start3A_20] : memref<50000x128xf32, #tpu.memory_space<hbm>> -> memref<50000x128xf32, #tpu.memory_space<hbm>>
    tpu.enqueue_indirect_dma source(%dma_start3A_21 : memref<50000x128xf32, #tpu.memory_space<hbm>>) target(%arg6 : memref<32x128xf32, #tpu.memory_space<vmem>>) offsets(%arg5 : memref<32xi32, #tpu.memory_space<vmem>>) semaphore(%arg7 : memref<!tpu.dma_semaphore, #tpu.memory_space<semaphore_mem>>)
    %dma_wait3A = arith.constant 0 : i32
    %dma_wait3A_22 = arith.constant 0 : i32
    %dma_wait3A_23 = tpu.memref_slice %arg3[%dma_wait3A, %dma_wait3A_22] : memref<50000x128xf32, #tpu.memory_space<hbm>> -> memref<50000x128xf32, #tpu.memory_space<hbm>>
    tpu.wait_indirect_dma semaphore(%arg7 : memref<!tpu.dma_semaphore, #tpu.memory_space<semaphore_mem>>) src(%dma_wait3A_23 : memref<50000x128xf32, #tpu.memory_space<hbm>>) dst(%arg6 : memref<32x128xf32, #tpu.memory_space<vmem>>)
    "tpu.region"() ({
      %run_scoped3A = tpu.sem_alloc : memref<!tpu.dma_semaphore, #tpu.memory_space<semaphore_mem>>
      %dma_start3A_24 = arith.constant 0 : i32
      %dma_start3A_25 = tpu.memref_slice %arg4[%mul3A_2, %dma_start3A_24] : memref<1024x128xf32, #tpu.memory_space<hbm>> -> memref<32x128xf32, #tpu.memory_space<hbm>>
      %dma_start3A_26 = arith.constant 0 : i32
      %dma_start3A_27 = tpu.memref_slice %arg4[%mul3A_2, %dma_start3A_26] : memref<1024x128xf32, #tpu.memory_space<hbm>> -> memref<32x128xf32, #tpu.memory_space<hbm>>
      tpu.enqueue_dma source(%arg6 : memref<32x128xf32, #tpu.memory_space<vmem>>) target(%dma_start3A_27 : memref<32x128xf32, #tpu.memory_space<hbm>>) target_semaphore(%run_scoped3A : memref<!tpu.dma_semaphore, #tpu.memory_space<semaphore_mem>>)
      %dma_wait3A_28 = arith.constant 0 : i32
      %dma_wait3A_29 = tpu.memref_slice %arg4[%mul3A_2, %dma_wait3A_28] : memref<1024x128xf32, #tpu.memory_space<hbm>> -> memref<32x128xf32, #tpu.memory_space<hbm>>
      %dma_wait3A_30 = arith.constant 0 : i32
      %dma_wait3A_31 = tpu.memref_slice %arg4[%mul3A_2, %dma_wait3A_30] : memref<1024x128xf32, #tpu.memory_space<hbm>> -> memref<32x128xf32, #tpu.memory_space<hbm>>
      tpu.wait_dma2 semaphore(%run_scoped3A : memref<!tpu.dma_semaphore, #tpu.memory_space<semaphore_mem>>) src(%arg6 : memref<32x128xf32, #tpu.memory_space<vmem>>) dst(%dma_wait3A_31 : memref<32x128xf32, #tpu.memory_space<hbm>>)
      tpu.yield
    }) : () -> ()
    return
  }
}

module attributes {stable_mosaic.version = 14 : i64} {
  func.func @body(%arg0: i32, %arg1: memref<1024x128xf32, #tpu.memory_space<hbm>>, %arg2: memref<1024x1xi32, #tpu.memory_space<hbm>>, %arg3: memref<100000x64xbf16, #tpu.memory_space<hbm>>, %arg4: memref<1024x100000xf32, #tpu.memory_space<hbm>>, %arg5: memref<1024x128xf32, #tpu.memory_space<vmem>>, %arg6: memref<1024x1xi32, #tpu.memory_space<vmem>>, %arg7: memref<1024x64xbf16, #tpu.memory_space<vmem>>, %arg8: memref<2x1024x64xbf16, #tpu.memory_space<vmem>>, %arg9: memref<2x1024x1024xf32, #tpu.memory_space<vmem>>, %arg10: memref<1024x672xf32, #tpu.memory_space<vmem>>, %arg11: memref<!tpu.dma_semaphore, #tpu.memory_space<semaphore_mem>>, %arg12: memref<!tpu.dma_semaphore, #tpu.memory_space<semaphore_mem>>, %arg13: memref<2x!tpu.dma_semaphore, #tpu.memory_space<semaphore_mem>>, %arg14: memref<2x8x!tpu.dma_semaphore, #tpu.memory_space<semaphore_mem>>) attributes {dimension_semantics = [#tpu.dimension_semantics<arbitrary>], iteration_bounds = array<i64: 98>, scalar_prefetch = 0 : i64, scratch_operands = 10 : i64, tpu.core_type = #tpu.core_type<tc>, window_params = [{}, {}, {}, {}]} {
    %rem3A = arith.constant 2 : i32
    %rem3A_0 = arith.remsi %arg0, %rem3A : i32
    %eq3A = arith.constant 0 : i32
    %eq3A_1 = arith.cmpi eq, %arg0, %eq3A : i32
    %convert_element_type3A = arith.extui %eq3A_1 : i1 to i32
    %cond3A = arith.constant 0 : i32
    %cond3A_2 = arith.cmpi ne, %convert_element_type3A, %cond3A : i32
    scf.if %cond3A_2 {
      tpu.enqueue_dma source(%arg1 : memref<1024x128xf32, #tpu.memory_space<hbm>>) target(%arg5 : memref<1024x128xf32, #tpu.memory_space<vmem>>) target_semaphore(%arg11 : memref<!tpu.dma_semaphore, #tpu.memory_space<semaphore_mem>>)
      tpu.enqueue_dma source(%arg2 : memref<1024x1xi32, #tpu.memory_space<hbm>>) target(%arg6 : memref<1024x1xi32, #tpu.memory_space<vmem>>) target_semaphore(%arg12 : memref<!tpu.dma_semaphore, #tpu.memory_space<semaphore_mem>>)
      %dma_start3A = arith.constant 0 : i32
      %dma_start3A_39 = arith.constant 0 : i32
      %dma_start3A_40 = tpu.memref_slice %arg13[%dma_start3A_39] : memref<2x!tpu.dma_semaphore, #tpu.memory_space<semaphore_mem>> -> memref<1x!tpu.dma_semaphore, #tpu.memory_space<semaphore_mem>>
      %dma_start3A_41 = tpu.memref_squeeze %dma_start3A_40 : memref<1x!tpu.dma_semaphore, #tpu.memory_space<semaphore_mem>> -> memref<!tpu.dma_semaphore, #tpu.memory_space<semaphore_mem>>
      %dma_start3A_42 = arith.constant 0 : i32
      %dma_start3A_43 = arith.constant 0 : i32
      %dma_start3A_44 = tpu.memref_slice %arg8[%dma_start3A, %dma_start3A_42, %dma_start3A_43] : memref<2x1024x64xbf16, #tpu.memory_space<vmem>> -> memref<1x1024x64xbf16, #tpu.memory_space<vmem>>
      %dma_start3A_45 = tpu.memref_squeeze %dma_start3A_44 : memref<1x1024x64xbf16, #tpu.memory_space<vmem>> -> memref<1024x64xbf16, #tpu.memory_space<vmem>>
      %dma_start3A_46 = arith.constant 0 : i32
      %dma_start3A_47 = arith.constant 0 : i32
      %dma_start3A_48 = tpu.memref_slice %arg3[%dma_start3A_46, %dma_start3A_47] : memref<100000x64xbf16, #tpu.memory_space<hbm>> -> memref<1024x64xbf16, #tpu.memory_space<hbm>>
      tpu.enqueue_dma source(%dma_start3A_48 : memref<1024x64xbf16, #tpu.memory_space<hbm>>) target(%dma_start3A_45 : memref<1024x64xbf16, #tpu.memory_space<vmem>>) target_semaphore(%dma_start3A_41 : memref<!tpu.dma_semaphore, #tpu.memory_space<semaphore_mem>>)
      tpu.wait_dma2 semaphore(%arg11 : memref<!tpu.dma_semaphore, #tpu.memory_space<semaphore_mem>>) src(%arg1 : memref<1024x128xf32, #tpu.memory_space<hbm>>) dst(%arg5 : memref<1024x128xf32, #tpu.memory_space<vmem>>)
      tpu.wait_dma2 semaphore(%arg12 : memref<!tpu.dma_semaphore, #tpu.memory_space<semaphore_mem>>) src(%arg2 : memref<1024x1xi32, #tpu.memory_space<hbm>>) dst(%arg6 : memref<1024x1xi32, #tpu.memory_space<vmem>>)
      %get3A = arith.constant 0 : index
      %get3A_49 = arith.constant 0 : index
      %get3A_50 = vector.load %arg6[%get3A, %get3A_49] : memref<1024x1xi32, #tpu.memory_space<vmem>>, vector<1024x1xi32>
      %and3A = arith.constant 1 : i32
      %and3A_51 = vector.broadcast %and3A : i32 to vector<1024x1xi32>
      %and3A_52 = arith.andi %get3A_50, %and3A_51 : vector<1024x1xi32>
      %eq3A_53 = arith.constant 1 : i32
      %eq3A_54 = vector.broadcast %eq3A_53 : i32 to vector<1024x1xi32>
      %eq3A_55 = arith.cmpi eq, %and3A_52, %eq3A_54 : vector<1024x1xi32>
      %get3A_56 = arith.constant 0 : index
      %get3A_57 = arith.constant 64 : index
      %get3A_58 = vector.load %arg5[%get3A_56, %get3A_57] : memref<1024x128xf32, #tpu.memory_space<vmem>>, vector<1024x64xf32>
      %get3A_59 = arith.constant 0 : index
      %get3A_60 = arith.constant 0 : index
      %get3A_61 = vector.load %arg5[%get3A_59, %get3A_60] : memref<1024x128xf32, #tpu.memory_space<vmem>>, vector<1024x64xf32>
      %broadcast_in_dim3A = vector.shape_cast %eq3A_55 : vector<1024x1xi1> to vector<1024x1xi1>
      %broadcast_in_dim3A_62 = vector.broadcast %broadcast_in_dim3A : vector<1024x1xi1> to vector<1024x64xi1>
      %select_n3A = arith.select %broadcast_in_dim3A_62, %get3A_58, %get3A_61 : vector<1024x64xi1>, vector<1024x64xf32>
      %convert_element_type3A_63 = arith.truncf %select_n3A : vector<1024x64xf32> to vector<1024x64xbf16>
      %swap3A = arith.constant 0 : index
      %swap3A_64 = arith.constant 0 : index
      %swap3A_65 = vector.load %arg7[%swap3A, %swap3A_64] : memref<1024x64xbf16, #tpu.memory_space<vmem>>, vector<1024x64xbf16>
      tpu.vector_store %arg7[%swap3A, %swap3A_64], %convert_element_type3A_63 {strides = array<i32>} : memref<1024x64xbf16, #tpu.memory_space<vmem>>, vector<1024x64xbf16>,
    } else {
    }
    %add3A = arith.constant 1 : i32
    %add3A_3 = arith.addi %arg0, %add3A : i32
    %lt3A = arith.constant 97 : i32
    %lt3A_4 = arith.cmpi slt, %add3A_3, %lt3A : i32
    %convert_element_type3A_5 = arith.extui %lt3A_4 : i1 to i32
    %cond3A_6 = arith.constant 0 : i32
    %cond3A_7 = arith.cmpi ne, %convert_element_type3A_5, %cond3A_6 : i32
    scf.if %cond3A_7 {
      %add3A_39 = arith.constant 1 : i32
      %add3A_40 = arith.addi %arg0, %add3A_39 : i32
      %rem3A_41 = arith.constant 2 : i32
      %rem3A_42 = arith.remsi %add3A_40, %rem3A_41 : i32
      %add3A_43 = arith.constant 1 : i32
      %add3A_44 = arith.addi %arg0, %add3A_43 : i32
      %mul3A = arith.constant 1024 : i32
      %mul3A_45 = arith.muli %add3A_44, %mul3A : i32
      %dma_start3A = tpu.memref_slice %arg13[%rem3A_42] : memref<2x!tpu.dma_semaphore, #tpu.memory_space<semaphore_mem>> -> memref<1x!tpu.dma_semaphore, #tpu.memory_space<semaphore_mem>>
      %dma_start3A_46 = tpu.memref_squeeze %dma_start3A : memref<1x!tpu.dma_semaphore, #tpu.memory_space<semaphore_mem>> -> memref<!tpu.dma_semaphore, #tpu.memory_space<semaphore_mem>>
      %dma_start3A_47 = arith.constant 0 : i32
      %dma_start3A_48 = arith.constant 0 : i32
      %dma_start3A_49 = tpu.memref_slice %arg8[%rem3A_42, %dma_start3A_47, %dma_start3A_48] : memref<2x1024x64xbf16, #tpu.memory_space<vmem>> -> memref<1x1024x64xbf16, #tpu.memory_space<vmem>>
      %dma_start3A_50 = tpu.memref_squeeze %dma_start3A_49 : memref<1x1024x64xbf16, #tpu.memory_space<vmem>> -> memref<1024x64xbf16, #tpu.memory_space<vmem>>
      %dma_start3A_51 = arith.constant 0 : i32
      %dma_start3A_52 = tpu.memref_slice %arg3[%mul3A_45, %dma_start3A_51] : memref<100000x64xbf16, #tpu.memory_space<hbm>> -> memref<1024x64xbf16, #tpu.memory_space<hbm>>
      tpu.enqueue_dma source(%dma_start3A_52 : memref<1024x64xbf16, #tpu.memory_space<hbm>>) target(%dma_start3A_50 : memref<1024x64xbf16, #tpu.memory_space<vmem>>) target_semaphore(%dma_start3A_46 : memref<!tpu.dma_semaphore, #tpu.memory_space<semaphore_mem>>)
    } else {
    }
    %add3A_8 = arith.constant 1 : i32
    %add3A_9 = arith.addi %arg0, %add3A_8 : i32
    %eq3A_10 = arith.constant 97 : i32
    %eq3A_11 = arith.cmpi eq, %add3A_9, %eq3A_10 : i32
    %convert_element_type3A_12 = arith.extui %eq3A_11 : i1 to i32
    %cond3A_13 = arith.constant 0 : i32
    %cond3A_14 = arith.cmpi ne, %convert_element_type3A_12, %cond3A_13 : i32
    scf.if %cond3A_14 {
      %add3A_39 = arith.constant 1 : i32
      %add3A_40 = arith.addi %arg0, %add3A_39 : i32
      %rem3A_41 = arith.constant 2 : i32
      %rem3A_42 = arith.remsi %add3A_40, %rem3A_41 : i32
      %dma_start3A = tpu.memref_slice %arg13[%rem3A_42] : memref<2x!tpu.dma_semaphore, #tpu.memory_space<semaphore_mem>> -> memref<1x!tpu.dma_semaphore, #tpu.memory_space<semaphore_mem>>
      %dma_start3A_43 = tpu.memref_squeeze %dma_start3A : memref<1x!tpu.dma_semaphore, #tpu.memory_space<semaphore_mem>> -> memref<!tpu.dma_semaphore, #tpu.memory_space<semaphore_mem>>
      %dma_start3A_44 = arith.constant 0 : i32
      %dma_start3A_45 = arith.constant 0 : i32
      %dma_start3A_46 = tpu.memref_slice %arg8[%rem3A_42, %dma_start3A_44, %dma_start3A_45] : memref<2x1024x64xbf16, #tpu.memory_space<vmem>> -> memref<1x672x64xbf16, #tpu.memory_space<vmem>>
      %dma_start3A_47 = tpu.memref_squeeze %dma_start3A_46 : memref<1x672x64xbf16, #tpu.memory_space<vmem>> -> memref<672x64xbf16, #tpu.memory_space<vmem>>
      %dma_start3A_48 = arith.constant 99328 : i32
      %dma_start3A_49 = arith.constant 0 : i32
      %dma_start3A_50 = tpu.memref_slice %arg3[%dma_start3A_48, %dma_start3A_49] : memref<100000x64xbf16, #tpu.memory_space<hbm>> -> memref<672x64xbf16, #tpu.memory_space<hbm>>
      tpu.enqueue_dma source(%dma_start3A_50 : memref<672x64xbf16, #tpu.memory_space<hbm>>) target(%dma_start3A_47 : memref<672x64xbf16, #tpu.memory_space<vmem>>) target_semaphore(%dma_start3A_43 : memref<!tpu.dma_semaphore, #tpu.memory_space<semaphore_mem>>)
    } else {
    }
    %lt3A_15 = arith.constant 97 : i32
    %lt3A_16 = arith.cmpi slt, %arg0, %lt3A_15 : i32
    %convert_element_type3A_17 = arith.extui %lt3A_16 : i1 to i32
    %cond3A_18 = arith.constant 0 : i32
    %cond3A_19 = arith.cmpi ne, %convert_element_type3A_17, %cond3A_18 : i32
    scf.if %cond3A_19 {
      %mul3A = arith.constant 1024 : i32
      %mul3A_39 = arith.muli %arg0, %mul3A : i32
      %dma_wait3A = tpu.memref_slice %arg13[%rem3A_0] : memref<2x!tpu.dma_semaphore, #tpu.memory_space<semaphore_mem>> -> memref<1x!tpu.dma_semaphore, #tpu.memory_space<semaphore_mem>>
      %dma_wait3A_40 = tpu.memref_squeeze %dma_wait3A : memref<1x!tpu.dma_semaphore, #tpu.memory_space<semaphore_mem>> -> memref<!tpu.dma_semaphore, #tpu.memory_space<semaphore_mem>>
      %dma_wait3A_41 = arith.constant 0 : i32
      %dma_wait3A_42 = arith.constant 0 : i32
      %dma_wait3A_43 = tpu.memref_slice %arg8[%rem3A_0, %dma_wait3A_41, %dma_wait3A_42] : memref<2x1024x64xbf16, #tpu.memory_space<vmem>> -> memref<1x1024x64xbf16, #tpu.memory_space<vmem>>
      %dma_wait3A_44 = tpu.memref_squeeze %dma_wait3A_43 : memref<1x1024x64xbf16, #tpu.memory_space<vmem>> -> memref<1024x64xbf16, #tpu.memory_space<vmem>>
      %dma_wait3A_45 = arith.constant 0 : i32
      %dma_wait3A_46 = tpu.memref_slice %arg3[%mul3A_39, %dma_wait3A_45] : memref<100000x64xbf16, #tpu.memory_space<hbm>> -> memref<1024x64xbf16, #tpu.memory_space<hbm>>
      tpu.wait_dma2 semaphore(%dma_wait3A_40 : memref<!tpu.dma_semaphore, #tpu.memory_space<semaphore_mem>>) src(%dma_wait3A_46 : memref<1024x64xbf16, #tpu.memory_space<hbm>>) dst(%dma_wait3A_44 : memref<1024x64xbf16, #tpu.memory_space<vmem>>)
    } else {
    }
    %eq3A_20 = arith.constant 97 : i32
    %eq3A_21 = arith.cmpi eq, %arg0, %eq3A_20 : i32
    %convert_element_type3A_22 = arith.extui %eq3A_21 : i1 to i32
    %cond3A_23 = arith.constant 0 : i32
    %cond3A_24 = arith.cmpi ne, %convert_element_type3A_22, %cond3A_23 : i32
    scf.if %cond3A_24 {
      %dma_wait3A = tpu.memref_slice %arg13[%rem3A_0] : memref<2x!tpu.dma_semaphore, #tpu.memory_space<semaphore_mem>> -> memref<1x!tpu.dma_semaphore, #tpu.memory_space<semaphore_mem>>
      %dma_wait3A_39 = tpu.memref_squeeze %dma_wait3A : memref<1x!tpu.dma_semaphore, #tpu.memory_space<semaphore_mem>> -> memref<!tpu.dma_semaphore, #tpu.memory_space<semaphore_mem>>
      %dma_wait3A_40 = arith.constant 0 : i32
      %dma_wait3A_41 = arith.constant 0 : i32
      %dma_wait3A_42 = tpu.memref_slice %arg8[%rem3A_0, %dma_wait3A_40, %dma_wait3A_41] : memref<2x1024x64xbf16, #tpu.memory_space<vmem>> -> memref<1x672x64xbf16, #tpu.memory_space<vmem>>
      %dma_wait3A_43 = tpu.memref_squeeze %dma_wait3A_42 : memref<1x672x64xbf16, #tpu.memory_space<vmem>> -> memref<672x64xbf16, #tpu.memory_space<vmem>>
      %dma_wait3A_44 = arith.constant 99328 : i32
      %dma_wait3A_45 = arith.constant 0 : i32
      %dma_wait3A_46 = tpu.memref_slice %arg3[%dma_wait3A_44, %dma_wait3A_45] : memref<100000x64xbf16, #tpu.memory_space<hbm>> -> memref<672x64xbf16, #tpu.memory_space<hbm>>
      tpu.wait_dma2 semaphore(%dma_wait3A_39 : memref<!tpu.dma_semaphore, #tpu.memory_space<semaphore_mem>>) src(%dma_wait3A_46 : memref<672x64xbf16, #tpu.memory_space<hbm>>) dst(%dma_wait3A_43 : memref<672x64xbf16, #tpu.memory_space<vmem>>)
    } else {
    }
    %ge3A = arith.constant 2 : i32
    %ge3A_25 = arith.cmpi sge, %arg0, %ge3A : i32
    %convert_element_type3A_26 = arith.extui %ge3A_25 : i1 to i32
    %cond3A_27 = arith.constant 0 : i32
    %cond3A_28 = arith.cmpi ne, %convert_element_type3A_26, %cond3A_27 : i32
    scf.if %cond3A_28 {
      %dma_wait3A = arith.constant 0 : i32
      %dma_wait3A_39 = tpu.memref_slice %arg14[%rem3A_0, %dma_wait3A] : memref<2x8x!tpu.dma_semaphore, #tpu.memory_space<semaphore_mem>> -> memref<1x1x!tpu.dma_semaphore, #tpu.memory_space<semaphore_mem>>
      %dma_wait3A_40 = tpu.memref_squeeze %dma_wait3A_39 : memref<1x1x!tpu.dma_semaphore, #tpu.memory_space<semaphore_mem>> -> memref<!tpu.dma_semaphore, #tpu.memory_space<semaphore_mem>>
      %dma_wait3A_41 = arith.constant 0 : i32
      %dma_wait3A_42 = arith.constant 0 : i32
      %dma_wait3A_43 = tpu.memref_slice %arg4[%dma_wait3A_41, %dma_wait3A_42] : memref<1024x100000xf32, #tpu.memory_space<hbm>> -> memref<128x1024xf32, #tpu.memory_space<hbm>>
      %dma_wait3A_44 = arith.constant 0 : i32
      %dma_wait3A_45 = arith.constant 0 : i32
      %dma_wait3A_46 = tpu.memref_slice %arg9[%rem3A_0, %dma_wait3A_44, %dma_wait3A_45] : memref<2x1024x1024xf32, #tpu.memory_space<vmem>> -> memref<1x128x1024xf32, #tpu.memory_space<vmem>>
      %dma_wait3A_47 = tpu.memref_squeeze %dma_wait3A_46 : memref<1x128x1024xf32, #tpu.memory_space<vmem>> -> memref<128x1024xf32, #tpu.memory_space<vmem>>
      tpu.wait_dma2 semaphore(%dma_wait3A_40 : memref<!tpu.dma_semaphore, #tpu.memory_space<semaphore_mem>>) src(%dma_wait3A_47 : memref<128x1024xf32, #tpu.memory_space<vmem>>) dst(%dma_wait3A_43 : memref<128x1024xf32, #tpu.memory_space<hbm>>)
      %dma_wait3A_48 = arith.constant 1 : i32
      %dma_wait3A_49 = tpu.memref_slice %arg14[%rem3A_0, %dma_wait3A_48] : memref<2x8x!tpu.dma_semaphore, #tpu.memory_space<semaphore_mem>> -> memref<1x1x!tpu.dma_semaphore, #tpu.memory_space<semaphore_mem>>
      %dma_wait3A_50 = tpu.memref_squeeze %dma_wait3A_49 : memref<1x1x!tpu.dma_semaphore, #tpu.memory_space<semaphore_mem>> -> memref<!tpu.dma_semaphore, #tpu.memory_space<semaphore_mem>>
      %dma_wait3A_51 = arith.constant 128 : i32
      %dma_wait3A_52 = arith.constant 0 : i32
      %dma_wait3A_53 = tpu.memref_slice %arg4[%dma_wait3A_51, %dma_wait3A_52] : memref<1024x100000xf32, #tpu.memory_space<hbm>> -> memref<128x1024xf32, #tpu.memory_space<hbm>>
      %dma_wait3A_54 = arith.constant 128 : i32
      %dma_wait3A_55 = arith.constant 0 : i32
      %dma_wait3A_56 = tpu.memref_slice %arg9[%rem3A_0, %dma_wait3A_54, %dma_wait3A_55] : memref<2x1024x1024xf32, #tpu.memory_space<vmem>> -> memref<1x128x1024xf32, #tpu.memory_space<vmem>>
      %dma_wait3A_57 = tpu.memref_squeeze %dma_wait3A_56 : memref<1x128x1024xf32, #tpu.memory_space<vmem>> -> memref<128x1024xf32, #tpu.memory_space<vmem>>
      tpu.wait_dma2 semaphore(%dma_wait3A_50 : memref<!tpu.dma_semaphore, #tpu.memory_space<semaphore_mem>>) src(%dma_wait3A_57 : memref<128x1024xf32, #tpu.memory_space<vmem>>) dst(%dma_wait3A_53 : memref<128x1024xf32, #tpu.memory_space<hbm>>)
      %dma_wait3A_58 = arith.constant 2 : i32
      %dma_wait3A_59 = tpu.memref_slice %arg14[%rem3A_0, %dma_wait3A_58] : memref<2x8x!tpu.dma_semaphore, #tpu.memory_space<semaphore_mem>> -> memref<1x1x!tpu.dma_semaphore, #tpu.memory_space<semaphore_mem>>
      %dma_wait3A_60 = tpu.memref_squeeze %dma_wait3A_59 : memref<1x1x!tpu.dma_semaphore, #tpu.memory_space<semaphore_mem>> -> memref<!tpu.dma_semaphore, #tpu.memory_space<semaphore_mem>>
      %dma_wait3A_61 = arith.constant 256 : i32
      %dma_wait3A_62 = arith.constant 0 : i32
      %dma_wait3A_63 = tpu.memref_slice %arg4[%dma_wait3A_61, %dma_wait3A_62] : memref<1024x100000xf32, #tpu.memory_space<hbm>> -> memref<128x1024xf32, #tpu.memory_space<hbm>>
      %dma_wait3A_64 = arith.constant 256 : i32
      %dma_wait3A_65 = arith.constant 0 : i32
      %dma_wait3A_66 = tpu.memref_slice %arg9[%rem3A_0, %dma_wait3A_64, %dma_wait3A_65] : memref<2x1024x1024xf32, #tpu.memory_space<vmem>> -> memref<1x128x1024xf32, #tpu.memory_space<vmem>>
      %dma_wait3A_67 = tpu.memref_squeeze %dma_wait3A_66 : memref<1x128x1024xf32, #tpu.memory_space<vmem>> -> memref<128x1024xf32, #tpu.memory_space<vmem>>
      tpu.wait_dma2 semaphore(%dma_wait3A_60 : memref<!tpu.dma_semaphore, #tpu.memory_space<semaphore_mem>>) src(%dma_wait3A_67 : memref<128x1024xf32, #tpu.memory_space<vmem>>) dst(%dma_wait3A_63 : memref<128x1024xf32, #tpu.memory_space<hbm>>)
      %dma_wait3A_68 = arith.constant 3 : i32
      %dma_wait3A_69 = tpu.memref_slice %arg14[%rem3A_0, %dma_wait3A_68] : memref<2x8x!tpu.dma_semaphore, #tpu.memory_space<semaphore_mem>> -> memref<1x1x!tpu.dma_semaphore, #tpu.memory_space<semaphore_mem>>
      %dma_wait3A_70 = tpu.memref_squeeze %dma_wait3A_69 : memref<1x1x!tpu.dma_semaphore, #tpu.memory_space<semaphore_mem>> -> memref<!tpu.dma_semaphore, #tpu.memory_space<semaphore_mem>>
      %dma_wait3A_71 = arith.constant 384 : i32
      %dma_wait3A_72 = arith.constant 0 : i32
      %dma_wait3A_73 = tpu.memref_slice %arg4[%dma_wait3A_71, %dma_wait3A_72] : memref<1024x100000xf32, #tpu.memory_space<hbm>> -> memref<128x1024xf32, #tpu.memory_space<hbm>>
      %dma_wait3A_74 = arith.constant 384 : i32
      %dma_wait3A_75 = arith.constant 0 : i32
      %dma_wait3A_76 = tpu.memref_slice %arg9[%rem3A_0, %dma_wait3A_74, %dma_wait3A_75] : memref<2x1024x1024xf32, #tpu.memory_space<vmem>> -> memref<1x128x1024xf32, #tpu.memory_space<vmem>>
      %dma_wait3A_77 = tpu.memref_squeeze %dma_wait3A_76 : memref<1x128x1024xf32, #tpu.memory_space<vmem>> -> memref<128x1024xf32, #tpu.memory_space<vmem>>
      tpu.wait_dma2 semaphore(%dma_wait3A_70 : memref<!tpu.dma_semaphore, #tpu.memory_space<semaphore_mem>>) src(%dma_wait3A_77 : memref<128x1024xf32, #tpu.memory_space<vmem>>) dst(%dma_wait3A_73 : memref<128x1024xf32, #tpu.memory_space<hbm>>)
      %dma_wait3A_78 = arith.constant 4 : i32
      %dma_wait3A_79 = tpu.memref_slice %arg14[%rem3A_0, %dma_wait3A_78] : memref<2x8x!tpu.dma_semaphore, #tpu.memory_space<semaphore_mem>> -> memref<1x1x!tpu.dma_semaphore, #tpu.memory_space<semaphore_mem>>
      %dma_wait3A_80 = tpu.memref_squeeze %dma_wait3A_79 : memref<1x1x!tpu.dma_semaphore, #tpu.memory_space<semaphore_mem>> -> memref<!tpu.dma_semaphore, #tpu.memory_space<semaphore_mem>>
      %dma_wait3A_81 = arith.constant 512 : i32
      %dma_wait3A_82 = arith.constant 0 : i32
      %dma_wait3A_83 = tpu.memref_slice %arg4[%dma_wait3A_81, %dma_wait3A_82] : memref<1024x100000xf32, #tpu.memory_space<hbm>> -> memref<128x1024xf32, #tpu.memory_space<hbm>>
      %dma_wait3A_84 = arith.constant 512 : i32
      %dma_wait3A_85 = arith.constant 0 : i32
      %dma_wait3A_86 = tpu.memref_slice %arg9[%rem3A_0, %dma_wait3A_84, %dma_wait3A_85] : memref<2x1024x1024xf32, #tpu.memory_space<vmem>> -> memref<1x128x1024xf32, #tpu.memory_space<vmem>>
      %dma_wait3A_87 = tpu.memref_squeeze %dma_wait3A_86 : memref<1x128x1024xf32, #tpu.memory_space<vmem>> -> memref<128x1024xf32, #tpu.memory_space<vmem>>
      tpu.wait_dma2 semaphore(%dma_wait3A_80 : memref<!tpu.dma_semaphore, #tpu.memory_space<semaphore_mem>>) src(%dma_wait3A_87 : memref<128x1024xf32, #tpu.memory_space<vmem>>) dst(%dma_wait3A_83 : memref<128x1024xf32, #tpu.memory_space<hbm>>)
      %dma_wait3A_88 = arith.constant 5 : i32
      %dma_wait3A_89 = tpu.memref_slice %arg14[%rem3A_0, %dma_wait3A_88] : memref<2x8x!tpu.dma_semaphore, #tpu.memory_space<semaphore_mem>> -> memref<1x1x!tpu.dma_semaphore, #tpu.memory_space<semaphore_mem>>
      %dma_wait3A_90 = tpu.memref_squeeze %dma_wait3A_89 : memref<1x1x!tpu.dma_semaphore, #tpu.memory_space<semaphore_mem>> -> memref<!tpu.dma_semaphore, #tpu.memory_space<semaphore_mem>>
      %dma_wait3A_91 = arith.constant 640 : i32
      %dma_wait3A_92 = arith.constant 0 : i32
      %dma_wait3A_93 = tpu.memref_slice %arg4[%dma_wait3A_91, %dma_wait3A_92] : memref<1024x100000xf32, #tpu.memory_space<hbm>> -> memref<128x1024xf32, #tpu.memory_space<hbm>>
      %dma_wait3A_94 = arith.constant 640 : i32
      %dma_wait3A_95 = arith.constant 0 : i32
      %dma_wait3A_96 = tpu.memref_slice %arg9[%rem3A_0, %dma_wait3A_94, %dma_wait3A_95] : memref<2x1024x1024xf32, #tpu.memory_space<vmem>> -> memref<1x128x1024xf32, #tpu.memory_space<vmem>>
      %dma_wait3A_97 = tpu.memref_squeeze %dma_wait3A_96 : memref<1x128x1024xf32, #tpu.memory_space<vmem>> -> memref<128x1024xf32, #tpu.memory_space<vmem>>
      tpu.wait_dma2 semaphore(%dma_wait3A_90 : memref<!tpu.dma_semaphore, #tpu.memory_space<semaphore_mem>>) src(%dma_wait3A_97 : memref<128x1024xf32, #tpu.memory_space<vmem>>) dst(%dma_wait3A_93 : memref<128x1024xf32, #tpu.memory_space<hbm>>)
      %dma_wait3A_98 = arith.constant 6 : i32
      %dma_wait3A_99 = tpu.memref_slice %arg14[%rem3A_0, %dma_wait3A_98] : memref<2x8x!tpu.dma_semaphore, #tpu.memory_space<semaphore_mem>> -> memref<1x1x!tpu.dma_semaphore, #tpu.memory_space<semaphore_mem>>
      %dma_wait3A_100 = tpu.memref_squeeze %dma_wait3A_99 : memref<1x1x!tpu.dma_semaphore, #tpu.memory_space<semaphore_mem>> -> memref<!tpu.dma_semaphore, #tpu.memory_space<semaphore_mem>>
      %dma_wait3A_101 = arith.constant 768 : i32
      %dma_wait3A_102 = arith.constant 0 : i32
      %dma_wait3A_103 = tpu.memref_slice %arg4[%dma_wait3A_101, %dma_wait3A_102] : memref<1024x100000xf32, #tpu.memory_space<hbm>> -> memref<128x1024xf32, #tpu.memory_space<hbm>>
      %dma_wait3A_104 = arith.constant 768 : i32
      %dma_wait3A_105 = arith.constant 0 : i32
      %dma_wait3A_106 = tpu.memref_slice %arg9[%rem3A_0, %dma_wait3A_104, %dma_wait3A_105] : memref<2x1024x1024xf32, #tpu.memory_space<vmem>> -> memref<1x128x1024xf32, #tpu.memory_space<vmem>>
      %dma_wait3A_107 = tpu.memref_squeeze %dma_wait3A_106 : memref<1x128x1024xf32, #tpu.memory_space<vmem>> -> memref<128x1024xf32, #tpu.memory_space<vmem>>
      tpu.wait_dma2 semaphore(%dma_wait3A_100 : memref<!tpu.dma_semaphore, #tpu.memory_space<semaphore_mem>>) src(%dma_wait3A_107 : memref<128x1024xf32, #tpu.memory_space<vmem>>) dst(%dma_wait3A_103 : memref<128x1024xf32, #tpu.memory_space<hbm>>)
      %dma_wait3A_108 = arith.constant 7 : i32
      %dma_wait3A_109 = tpu.memref_slice %arg14[%rem3A_0, %dma_wait3A_108] : memref<2x8x!tpu.dma_semaphore, #tpu.memory_space<semaphore_mem>> -> memref<1x1x!tpu.dma_semaphore, #tpu.memory_space<semaphore_mem>>
      %dma_wait3A_110 = tpu.memref_squeeze %dma_wait3A_109 : memref<1x1x!tpu.dma_semaphore, #tpu.memory_space<semaphore_mem>> -> memref<!tpu.dma_semaphore, #tpu.memory_space<semaphore_mem>>
      %dma_wait3A_111 = arith.constant 896 : i32
      %dma_wait3A_112 = arith.constant 0 : i32
      %dma_wait3A_113 = tpu.memref_slice %arg4[%dma_wait3A_111, %dma_wait3A_112] : memref<1024x100000xf32, #tpu.memory_space<hbm>> -> memref<128x1024xf32, #tpu.memory_space<hbm>>
      %dma_wait3A_114 = arith.constant 896 : i32
      %dma_wait3A_115 = arith.constant 0 : i32
      %dma_wait3A_116 = tpu.memref_slice %arg9[%rem3A_0, %dma_wait3A_114, %dma_wait3A_115] : memref<2x1024x1024xf32, #tpu.memory_space<vmem>> -> memref<1x128x1024xf32, #tpu.memory_space<vmem>>
      %dma_wait3A_117 = tpu.memref_squeeze %dma_wait3A_116 : memref<1x128x1024xf32, #tpu.memory_space<vmem>> -> memref<128x1024xf32, #tpu.memory_space<vmem>>
      tpu.wait_dma2 semaphore(%dma_wait3A_110 : memref<!tpu.dma_semaphore, #tpu.memory_space<semaphore_mem>>) src(%dma_wait3A_117 : memref<128x1024xf32, #tpu.memory_space<vmem>>) dst(%dma_wait3A_113 : memref<128x1024xf32, #tpu.memory_space<hbm>>)
    } else {
    }
    %lt3A_29 = arith.constant 97 : i32
    %lt3A_30 = arith.cmpi slt, %arg0, %lt3A_29 : i32
    %convert_element_type3A_31 = arith.extui %lt3A_30 : i1 to i32
    %cond3A_32 = arith.constant 0 : i32
    %cond3A_33 = arith.cmpi ne, %convert_element_type3A_31, %cond3A_32 : i32
    scf.if %cond3A_33 {
      %get3A = arith.constant 0 : index
      %get3A_39 = arith.constant 0 : index
      %get3A_40 = vector.load %arg7[%get3A, %get3A_39] : memref<1024x64xbf16, #tpu.memory_space<vmem>>, vector<1024x64xbf16>
      %get3A_41 = arith.index_cast %rem3A_0 : i32 to index
      %get3A_42 = arith.constant 0 : index
      %get3A_43 = arith.constant 0 : index
      %get3A_44 = vector.load %arg8[%get3A_41, %get3A_42, %get3A_43] : memref<2x1024x64xbf16, #tpu.memory_space<vmem>>, vector<1x1024x64xbf16>
      %get3A_45 = vector.shape_cast %get3A_44 : vector<1x1024x64xbf16> to vector<1024x64xbf16>
      %dot_general3A = arith.constant dense<0.000000e+00> : vector<1024x1024xf32>
      %dot_general3A_46 = tpu.matmul %get3A_40, %get3A_45, %dot_general3A {dimension_numbers = #tpu.dot_dimension_numbers<[1], [1], [0], [0], [0, 0, 1, 0], [], []>, transpose_lhs_hint = false} : vector<1024x64xbf16>, vector<1024x64xbf16>, vector<1024x1024xf32> -> vector<1024x1024xf32>
      %swap3A = arith.index_cast %rem3A_0 : i32 to index
      %swap3A_47 = arith.constant 0 : index
      %swap3A_48 = arith.constant 0 : index
      %swap3A_49 = vector.load %arg9[%swap3A, %swap3A_47, %swap3A_48] : memref<2x1024x1024xf32, #tpu.memory_space<vmem>>, vector<1x1024x1024xf32>
      %swap3A_50 = vector.shape_cast %swap3A_49 : vector<1x1024x1024xf32> to vector<1024x1024xf32>
      %swap3A_51 = vector.shape_cast %dot_general3A_46 : vector<1024x1024xf32> to vector<1x1024x1024xf32>
      tpu.vector_store %arg9[%swap3A, %swap3A_47, %swap3A_48], %swap3A_51 {strides = array<i32>} : memref<2x1024x1024xf32, #tpu.memory_space<vmem>>, vector<1x1024x1024xf32>,
      %mul3A = arith.constant 1024 : i32
      %mul3A_52 = arith.muli %arg0, %mul3A : i32
      %dma_start3A = arith.constant 0 : i32
      %dma_start3A_53 = tpu.memref_slice %arg14[%rem3A_0, %dma_start3A] : memref<2x8x!tpu.dma_semaphore, #tpu.memory_space<semaphore_mem>> -> memref<1x1x!tpu.dma_semaphore, #tpu.memory_space<semaphore_mem>>
      %dma_start3A_54 = tpu.memref_squeeze %dma_start3A_53 : memref<1x1x!tpu.dma_semaphore, #tpu.memory_space<semaphore_mem>> -> memref<!tpu.dma_semaphore, #tpu.memory_space<semaphore_mem>>
      %dma_start3A_55 = arith.constant 0 : i32
      %dma_start3A_56 = tpu.memref_slice %arg4[%dma_start3A_55, %mul3A_52] : memref<1024x100000xf32, #tpu.memory_space<hbm>> -> memref<128x1024xf32, #tpu.memory_space<hbm>>
      %dma_start3A_57 = arith.constant 0 : i32
      %dma_start3A_58 = arith.constant 0 : i32
      %dma_start3A_59 = tpu.memref_slice %arg9[%rem3A_0, %dma_start3A_57, %dma_start3A_58] : memref<2x1024x1024xf32, #tpu.memory_space<vmem>> -> memref<1x128x1024xf32, #tpu.memory_space<vmem>>
      %dma_start3A_60 = tpu.memref_squeeze %dma_start3A_59 : memref<1x128x1024xf32, #tpu.memory_space<vmem>> -> memref<128x1024xf32, #tpu.memory_space<vmem>>
      tpu.enqueue_dma source(%dma_start3A_60 : memref<128x1024xf32, #tpu.memory_space<vmem>>) target(%dma_start3A_56 : memref<128x1024xf32, #tpu.memory_space<hbm>>) target_semaphore(%dma_start3A_54 : memref<!tpu.dma_semaphore, #tpu.memory_space<semaphore_mem>>)
      %mul3A_61 = arith.constant 1024 : i32
      %mul3A_62 = arith.muli %arg0, %mul3A_61 : i32
      %dma_start3A_63 = arith.constant 1 : i32
      %dma_start3A_64 = tpu.memref_slice %arg14[%rem3A_0, %dma_start3A_63] : memref<2x8x!tpu.dma_semaphore, #tpu.memory_space<semaphore_mem>> -> memref<1x1x!tpu.dma_semaphore, #tpu.memory_space<semaphore_mem>>
      %dma_start3A_65 = tpu.memref_squeeze %dma_start3A_64 : memref<1x1x!tpu.dma_semaphore, #tpu.memory_space<semaphore_mem>> -> memref<!tpu.dma_semaphore, #tpu.memory_space<semaphore_mem>>
      %dma_start3A_66 = arith.constant 128 : i32
      %dma_start3A_67 = tpu.memref_slice %arg4[%dma_start3A_66, %mul3A_62] : memref<1024x100000xf32, #tpu.memory_space<hbm>> -> memref<128x1024xf32, #tpu.memory_space<hbm>>
      %dma_start3A_68 = arith.constant 128 : i32
      %dma_start3A_69 = arith.constant 0 : i32
      %dma_start3A_70 = tpu.memref_slice %arg9[%rem3A_0, %dma_start3A_68, %dma_start3A_69] : memref<2x1024x1024xf32, #tpu.memory_space<vmem>> -> memref<1x128x1024xf32, #tpu.memory_space<vmem>>
      %dma_start3A_71 = tpu.memref_squeeze %dma_start3A_70 : memref<1x128x1024xf32, #tpu.memory_space<vmem>> -> memref<128x1024xf32, #tpu.memory_space<vmem>>
      tpu.enqueue_dma source(%dma_start3A_71 : memref<128x1024xf32, #tpu.memory_space<vmem>>) target(%dma_start3A_67 : memref<128x1024xf32, #tpu.memory_space<hbm>>) target_semaphore(%dma_start3A_65 : memref<!tpu.dma_semaphore, #tpu.memory_space<semaphore_mem>>)
      %mul3A_72 = arith.constant 1024 : i32
      %mul3A_73 = arith.muli %arg0, %mul3A_72 : i32
      %dma_start3A_74 = arith.constant 2 : i32
      %dma_start3A_75 = tpu.memref_slice %arg14[%rem3A_0, %dma_start3A_74] : memref<2x8x!tpu.dma_semaphore, #tpu.memory_space<semaphore_mem>> -> memref<1x1x!tpu.dma_semaphore, #tpu.memory_space<semaphore_mem>>
      %dma_start3A_76 = tpu.memref_squeeze %dma_start3A_75 : memref<1x1x!tpu.dma_semaphore, #tpu.memory_space<semaphore_mem>> -> memref<!tpu.dma_semaphore, #tpu.memory_space<semaphore_mem>>
      %dma_start3A_77 = arith.constant 256 : i32
      %dma_start3A_78 = tpu.memref_slice %arg4[%dma_start3A_77, %mul3A_73] : memref<1024x100000xf32, #tpu.memory_space<hbm>> -> memref<128x1024xf32, #tpu.memory_space<hbm>>
      %dma_start3A_79 = arith.constant 256 : i32
      %dma_start3A_80 = arith.constant 0 : i32
      %dma_start3A_81 = tpu.memref_slice %arg9[%rem3A_0, %dma_start3A_79, %dma_start3A_80] : memref<2x1024x1024xf32, #tpu.memory_space<vmem>> -> memref<1x128x1024xf32, #tpu.memory_space<vmem>>
      %dma_start3A_82 = tpu.memref_squeeze %dma_start3A_81 : memref<1x128x1024xf32, #tpu.memory_space<vmem>> -> memref<128x1024xf32, #tpu.memory_space<vmem>>
      tpu.enqueue_dma source(%dma_start3A_82 : memref<128x1024xf32, #tpu.memory_space<vmem>>) target(%dma_start3A_78 : memref<128x1024xf32, #tpu.memory_space<hbm>>) target_semaphore(%dma_start3A_76 : memref<!tpu.dma_semaphore, #tpu.memory_space<semaphore_mem>>)
      %mul3A_83 = arith.constant 1024 : i32
      %mul3A_84 = arith.muli %arg0, %mul3A_83 : i32
      %dma_start3A_85 = arith.constant 3 : i32
      %dma_start3A_86 = tpu.memref_slice %arg14[%rem3A_0, %dma_start3A_85] : memref<2x8x!tpu.dma_semaphore, #tpu.memory_space<semaphore_mem>> -> memref<1x1x!tpu.dma_semaphore, #tpu.memory_space<semaphore_mem>>
      %dma_start3A_87 = tpu.memref_squeeze %dma_start3A_86 : memref<1x1x!tpu.dma_semaphore, #tpu.memory_space<semaphore_mem>> -> memref<!tpu.dma_semaphore, #tpu.memory_space<semaphore_mem>>
      %dma_start3A_88 = arith.constant 384 : i32
      %dma_start3A_89 = tpu.memref_slice %arg4[%dma_start3A_88, %mul3A_84] : memref<1024x100000xf32, #tpu.memory_space<hbm>> -> memref<128x1024xf32, #tpu.memory_space<hbm>>
      %dma_start3A_90 = arith.constant 384 : i32
      %dma_start3A_91 = arith.constant 0 : i32
      %dma_start3A_92 = tpu.memref_slice %arg9[%rem3A_0, %dma_start3A_90, %dma_start3A_91] : memref<2x1024x1024xf32, #tpu.memory_space<vmem>> -> memref<1x128x1024xf32, #tpu.memory_space<vmem>>
      %dma_start3A_93 = tpu.memref_squeeze %dma_start3A_92 : memref<1x128x1024xf32, #tpu.memory_space<vmem>> -> memref<128x1024xf32, #tpu.memory_space<vmem>>
      tpu.enqueue_dma source(%dma_start3A_93 : memref<128x1024xf32, #tpu.memory_space<vmem>>) target(%dma_start3A_89 : memref<128x1024xf32, #tpu.memory_space<hbm>>) target_semaphore(%dma_start3A_87 : memref<!tpu.dma_semaphore, #tpu.memory_space<semaphore_mem>>)
      %mul3A_94 = arith.constant 1024 : i32
      %mul3A_95 = arith.muli %arg0, %mul3A_94 : i32
      %dma_start3A_96 = arith.constant 4 : i32
      %dma_start3A_97 = tpu.memref_slice %arg14[%rem3A_0, %dma_start3A_96] : memref<2x8x!tpu.dma_semaphore, #tpu.memory_space<semaphore_mem>> -> memref<1x1x!tpu.dma_semaphore, #tpu.memory_space<semaphore_mem>>
      %dma_start3A_98 = tpu.memref_squeeze %dma_start3A_97 : memref<1x1x!tpu.dma_semaphore, #tpu.memory_space<semaphore_mem>> -> memref<!tpu.dma_semaphore, #tpu.memory_space<semaphore_mem>>
      %dma_start3A_99 = arith.constant 512 : i32
      %dma_start3A_100 = tpu.memref_slice %arg4[%dma_start3A_99, %mul3A_95] : memref<1024x100000xf32, #tpu.memory_space<hbm>> -> memref<128x1024xf32, #tpu.memory_space<hbm>>
      %dma_start3A_101 = arith.constant 512 : i32
      %dma_start3A_102 = arith.constant 0 : i32
      %dma_start3A_103 = tpu.memref_slice %arg9[%rem3A_0, %dma_start3A_101, %dma_start3A_102] : memref<2x1024x1024xf32, #tpu.memory_space<vmem>> -> memref<1x128x1024xf32, #tpu.memory_space<vmem>>
      %dma_start3A_104 = tpu.memref_squeeze %dma_start3A_103 : memref<1x128x1024xf32, #tpu.memory_space<vmem>> -> memref<128x1024xf32, #tpu.memory_space<vmem>>
      tpu.enqueue_dma source(%dma_start3A_104 : memref<128x1024xf32, #tpu.memory_space<vmem>>) target(%dma_start3A_100 : memref<128x1024xf32, #tpu.memory_space<hbm>>) target_semaphore(%dma_start3A_98 : memref<!tpu.dma_semaphore, #tpu.memory_space<semaphore_mem>>)
      %mul3A_105 = arith.constant 1024 : i32
      %mul3A_106 = arith.muli %arg0, %mul3A_105 : i32
      %dma_start3A_107 = arith.constant 5 : i32
      %dma_start3A_108 = tpu.memref_slice %arg14[%rem3A_0, %dma_start3A_107] : memref<2x8x!tpu.dma_semaphore, #tpu.memory_space<semaphore_mem>> -> memref<1x1x!tpu.dma_semaphore, #tpu.memory_space<semaphore_mem>>
      %dma_start3A_109 = tpu.memref_squeeze %dma_start3A_108 : memref<1x1x!tpu.dma_semaphore, #tpu.memory_space<semaphore_mem>> -> memref<!tpu.dma_semaphore, #tpu.memory_space<semaphore_mem>>
      %dma_start3A_110 = arith.constant 640 : i32
      %dma_start3A_111 = tpu.memref_slice %arg4[%dma_start3A_110, %mul3A_106] : memref<1024x100000xf32, #tpu.memory_space<hbm>> -> memref<128x1024xf32, #tpu.memory_space<hbm>>
      %dma_start3A_112 = arith.constant 640 : i32
      %dma_start3A_113 = arith.constant 0 : i32
      %dma_start3A_114 = tpu.memref_slice %arg9[%rem3A_0, %dma_start3A_112, %dma_start3A_113] : memref<2x1024x1024xf32, #tpu.memory_space<vmem>> -> memref<1x128x1024xf32, #tpu.memory_space<vmem>>
      %dma_start3A_115 = tpu.memref_squeeze %dma_start3A_114 : memref<1x128x1024xf32, #tpu.memory_space<vmem>> -> memref<128x1024xf32, #tpu.memory_space<vmem>>
      tpu.enqueue_dma source(%dma_start3A_115 : memref<128x1024xf32, #tpu.memory_space<vmem>>) target(%dma_start3A_111 : memref<128x1024xf32, #tpu.memory_space<hbm>>) target_semaphore(%dma_start3A_109 : memref<!tpu.dma_semaphore, #tpu.memory_space<semaphore_mem>>)
      %mul3A_116 = arith.constant 1024 : i32
      %mul3A_117 = arith.muli %arg0, %mul3A_116 : i32
      %dma_start3A_118 = arith.constant 6 : i32
      %dma_start3A_119 = tpu.memref_slice %arg14[%rem3A_0, %dma_start3A_118] : memref<2x8x!tpu.dma_semaphore, #tpu.memory_space<semaphore_mem>> -> memref<1x1x!tpu.dma_semaphore, #tpu.memory_space<semaphore_mem>>
      %dma_start3A_120 = tpu.memref_squeeze %dma_start3A_119 : memref<1x1x!tpu.dma_semaphore, #tpu.memory_space<semaphore_mem>> -> memref<!tpu.dma_semaphore, #tpu.memory_space<semaphore_mem>>
      %dma_start3A_121 = arith.constant 768 : i32
      %dma_start3A_122 = tpu.memref_slice %arg4[%dma_start3A_121, %mul3A_117] : memref<1024x100000xf32, #tpu.memory_space<hbm>> -> memref<128x1024xf32, #tpu.memory_space<hbm>>
      %dma_start3A_123 = arith.constant 768 : i32
      %dma_start3A_124 = arith.constant 0 : i32
      %dma_start3A_125 = tpu.memref_slice %arg9[%rem3A_0, %dma_start3A_123, %dma_start3A_124] : memref<2x1024x1024xf32, #tpu.memory_space<vmem>> -> memref<1x128x1024xf32, #tpu.memory_space<vmem>>
      %dma_start3A_126 = tpu.memref_squeeze %dma_start3A_125 : memref<1x128x1024xf32, #tpu.memory_space<vmem>> -> memref<128x1024xf32, #tpu.memory_space<vmem>>
      tpu.enqueue_dma source(%dma_start3A_126 : memref<128x1024xf32, #tpu.memory_space<vmem>>) target(%dma_start3A_122 : memref<128x1024xf32, #tpu.memory_space<hbm>>) target_semaphore(%dma_start3A_120 : memref<!tpu.dma_semaphore, #tpu.memory_space<semaphore_mem>>)
      %mul3A_127 = arith.constant 1024 : i32
      %mul3A_128 = arith.muli %arg0, %mul3A_127 : i32
      %dma_start3A_129 = arith.constant 7 : i32
      %dma_start3A_130 = tpu.memref_slice %arg14[%rem3A_0, %dma_start3A_129] : memref<2x8x!tpu.dma_semaphore, #tpu.memory_space<semaphore_mem>> -> memref<1x1x!tpu.dma_semaphore, #tpu.memory_space<semaphore_mem>>
      %dma_start3A_131 = tpu.memref_squeeze %dma_start3A_130 : memref<1x1x!tpu.dma_semaphore, #tpu.memory_space<semaphore_mem>> -> memref<!tpu.dma_semaphore, #tpu.memory_space<semaphore_mem>>
      %dma_start3A_132 = arith.constant 896 : i32
      %dma_start3A_133 = tpu.memref_slice %arg4[%dma_start3A_132, %mul3A_128] : memref<1024x100000xf32, #tpu.memory_space<hbm>> -> memref<128x1024xf32, #tpu.memory_space<hbm>>
      %dma_start3A_134 = arith.constant 896 : i32
      %dma_start3A_135 = arith.constant 0 : i32
      %dma_start3A_136 = tpu.memref_slice %arg9[%rem3A_0, %dma_start3A_134, %dma_start3A_135] : memref<2x1024x1024xf32, #tpu.memory_space<vmem>> -> memref<1x128x1024xf32, #tpu.memory_space<vmem>>
      %dma_start3A_137 = tpu.memref_squeeze %dma_start3A_136 : memref<1x128x1024xf32, #tpu.memory_space<vmem>> -> memref<128x1024xf32, #tpu.memory_space<vmem>>
      tpu.enqueue_dma source(%dma_start3A_137 : memref<128x1024xf32, #tpu.memory_space<vmem>>) target(%dma_start3A_133 : memref<128x1024xf32, #tpu.memory_space<hbm>>) target_semaphore(%dma_start3A_131 : memref<!tpu.dma_semaphore, #tpu.memory_space<semaphore_mem>>)
    } else {
    }
    %eq3A_34 = arith.constant 97 : i32
    %eq3A_35 = arith.cmpi eq, %arg0, %eq3A_34 : i32
    %convert_element_type3A_36 = arith.extui %eq3A_35 : i1 to i32
    %cond3A_37 = arith.constant 0 : i32
    %cond3A_38 = arith.cmpi ne, %convert_element_type3A_36, %cond3A_37 : i32
    scf.if %cond3A_38 {
      %get3A = arith.constant 0 : index
      %get3A_39 = arith.constant 0 : index
      %get3A_40 = vector.load %arg7[%get3A, %get3A_39] : memref<1024x64xbf16, #tpu.memory_space<vmem>>, vector<1024x64xbf16>
      %get3A_41 = arith.index_cast %rem3A_0 : i32 to index
      %get3A_42 = arith.constant 0 : index
      %get3A_43 = arith.constant 0 : index
      %get3A_44 = vector.load %arg8[%get3A_41, %get3A_42, %get3A_43] : memref<2x1024x64xbf16, #tpu.memory_space<vmem>>, vector<1x672x64xbf16>
      %get3A_45 = vector.shape_cast %get3A_44 : vector<1x672x64xbf16> to vector<672x64xbf16>
      %dot_general3A = arith.constant dense<0.000000e+00> : vector<1024x672xf32>
      %dot_general3A_46 = tpu.matmul %get3A_40, %get3A_45, %dot_general3A {dimension_numbers = #tpu.dot_dimension_numbers<[1], [1], [0], [0], [0, 0, 1, 0], [], []>, transpose_lhs_hint = false} : vector<1024x64xbf16>, vector<672x64xbf16>, vector<1024x672xf32> -> vector<1024x672xf32>
      %swap3A = arith.constant 0 : index
      %swap3A_47 = arith.constant 0 : index
      %swap3A_48 = vector.load %arg10[%swap3A, %swap3A_47] : memref<1024x672xf32, #tpu.memory_space<vmem>>, vector<1024x672xf32>
      tpu.vector_store %arg10[%swap3A, %swap3A_47], %dot_general3A_46 {strides = array<i32>} : memref<1024x672xf32, #tpu.memory_space<vmem>>, vector<1024x672xf32>,
      %rem3A_49 = arith.constant 97 : i32
      %rem3A_50 = arith.constant 2 : i32
      %rem3A_51 = arith.remsi %rem3A_49, %rem3A_50 : i32
      %dma_start3A = arith.constant 0 : i32
      %dma_start3A_52 = tpu.memref_slice %arg14[%rem3A_51, %dma_start3A] : memref<2x8x!tpu.dma_semaphore, #tpu.memory_space<semaphore_mem>> -> memref<1x1x!tpu.dma_semaphore, #tpu.memory_space<semaphore_mem>>
      %dma_start3A_53 = tpu.memref_squeeze %dma_start3A_52 : memref<1x1x!tpu.dma_semaphore, #tpu.memory_space<semaphore_mem>> -> memref<!tpu.dma_semaphore, #tpu.memory_space<semaphore_mem>>
      %dma_start3A_54 = arith.constant 0 : i32
      %dma_start3A_55 = arith.constant 99328 : i32
      %dma_start3A_56 = tpu.memref_slice %arg4[%dma_start3A_54, %dma_start3A_55] : memref<1024x100000xf32, #tpu.memory_space<hbm>> -> memref<128x672xf32, #tpu.memory_space<hbm>>
      %dma_start3A_57 = arith.constant 0 : i32
      %dma_start3A_58 = arith.constant 0 : i32
      %dma_start3A_59 = tpu.memref_slice %arg10[%dma_start3A_57, %dma_start3A_58] : memref<1024x672xf32, #tpu.memory_space<vmem>> -> memref<128x672xf32, #tpu.memory_space<vmem>>
      tpu.enqueue_dma source(%dma_start3A_59 : memref<128x672xf32, #tpu.memory_space<vmem>>) target(%dma_start3A_56 : memref<128x672xf32, #tpu.memory_space<hbm>>) target_semaphore(%dma_start3A_53 : memref<!tpu.dma_semaphore, #tpu.memory_space<semaphore_mem>>)
      %rem3A_60 = arith.constant 97 : i32
      %rem3A_61 = arith.constant 2 : i32
      %rem3A_62 = arith.remsi %rem3A_60, %rem3A_61 : i32
      %dma_start3A_63 = arith.constant 1 : i32
      %dma_start3A_64 = tpu.memref_slice %arg14[%rem3A_62, %dma_start3A_63] : memref<2x8x!tpu.dma_semaphore, #tpu.memory_space<semaphore_mem>> -> memref<1x1x!tpu.dma_semaphore, #tpu.memory_space<semaphore_mem>>
      %dma_start3A_65 = tpu.memref_squeeze %dma_start3A_64 : memref<1x1x!tpu.dma_semaphore, #tpu.memory_space<semaphore_mem>> -> memref<!tpu.dma_semaphore, #tpu.memory_space<semaphore_mem>>
      %dma_start3A_66 = arith.constant 128 : i32
      %dma_start3A_67 = arith.constant 99328 : i32
      %dma_start3A_68 = tpu.memref_slice %arg4[%dma_start3A_66, %dma_start3A_67] : memref<1024x100000xf32, #tpu.memory_space<hbm>> -> memref<128x672xf32, #tpu.memory_space<hbm>>
      %dma_start3A_69 = arith.constant 128 : i32
      %dma_start3A_70 = arith.constant 0 : i32
      %dma_start3A_71 = tpu.memref_slice %arg10[%dma_start3A_69, %dma_start3A_70] : memref<1024x672xf32, #tpu.memory_space<vmem>> -> memref<128x672xf32, #tpu.memory_space<vmem>>
      tpu.enqueue_dma source(%dma_start3A_71 : memref<128x672xf32, #tpu.memory_space<vmem>>) target(%dma_start3A_68 : memref<128x672xf32, #tpu.memory_space<hbm>>) target_semaphore(%dma_start3A_65 : memref<!tpu.dma_semaphore, #tpu.memory_space<semaphore_mem>>)
      %rem3A_72 = arith.constant 97 : i32
      %rem3A_73 = arith.constant 2 : i32
      %rem3A_74 = arith.remsi %rem3A_72, %rem3A_73 : i32
      %dma_start3A_75 = arith.constant 2 : i32
      %dma_start3A_76 = tpu.memref_slice %arg14[%rem3A_74, %dma_start3A_75] : memref<2x8x!tpu.dma_semaphore, #tpu.memory_space<semaphore_mem>> -> memref<1x1x!tpu.dma_semaphore, #tpu.memory_space<semaphore_mem>>
      %dma_start3A_77 = tpu.memref_squeeze %dma_start3A_76 : memref<1x1x!tpu.dma_semaphore, #tpu.memory_space<semaphore_mem>> -> memref<!tpu.dma_semaphore, #tpu.memory_space<semaphore_mem>>
      %dma_start3A_78 = arith.constant 256 : i32
      %dma_start3A_79 = arith.constant 99328 : i32
      %dma_start3A_80 = tpu.memref_slice %arg4[%dma_start3A_78, %dma_start3A_79] : memref<1024x100000xf32, #tpu.memory_space<hbm>> -> memref<128x672xf32, #tpu.memory_space<hbm>>
      %dma_start3A_81 = arith.constant 256 : i32
      %dma_start3A_82 = arith.constant 0 : i32
      %dma_start3A_83 = tpu.memref_slice %arg10[%dma_start3A_81, %dma_start3A_82] : memref<1024x672xf32, #tpu.memory_space<vmem>> -> memref<128x672xf32, #tpu.memory_space<vmem>>
      tpu.enqueue_dma source(%dma_start3A_83 : memref<128x672xf32, #tpu.memory_space<vmem>>) target(%dma_start3A_80 : memref<128x672xf32, #tpu.memory_space<hbm>>) target_semaphore(%dma_start3A_77 : memref<!tpu.dma_semaphore, #tpu.memory_space<semaphore_mem>>)
      %rem3A_84 = arith.constant 97 : i32
      %rem3A_85 = arith.constant 2 : i32
      %rem3A_86 = arith.remsi %rem3A_84, %rem3A_85 : i32
      %dma_start3A_87 = arith.constant 3 : i32
      %dma_start3A_88 = tpu.memref_slice %arg14[%rem3A_86, %dma_start3A_87] : memref<2x8x!tpu.dma_semaphore, #tpu.memory_space<semaphore_mem>> -> memref<1x1x!tpu.dma_semaphore, #tpu.memory_space<semaphore_mem>>
      %dma_start3A_89 = tpu.memref_squeeze %dma_start3A_88 : memref<1x1x!tpu.dma_semaphore, #tpu.memory_space<semaphore_mem>> -> memref<!tpu.dma_semaphore, #tpu.memory_space<semaphore_mem>>
      %dma_start3A_90 = arith.constant 384 : i32
      %dma_start3A_91 = arith.constant 99328 : i32
      %dma_start3A_92 = tpu.memref_slice %arg4[%dma_start3A_90, %dma_start3A_91] : memref<1024x100000xf32, #tpu.memory_space<hbm>> -> memref<128x672xf32, #tpu.memory_space<hbm>>
      %dma_start3A_93 = arith.constant 384 : i32
      %dma_start3A_94 = arith.constant 0 : i32
      %dma_start3A_95 = tpu.memref_slice %arg10[%dma_start3A_93, %dma_start3A_94] : memref<1024x672xf32, #tpu.memory_space<vmem>> -> memref<128x672xf32, #tpu.memory_space<vmem>>
      tpu.enqueue_dma source(%dma_start3A_95 : memref<128x672xf32, #tpu.memory_space<vmem>>) target(%dma_start3A_92 : memref<128x672xf32, #tpu.memory_space<hbm>>) target_semaphore(%dma_start3A_89 : memref<!tpu.dma_semaphore, #tpu.memory_space<semaphore_mem>>)
      %rem3A_96 = arith.constant 97 : i32
      %rem3A_97 = arith.constant 2 : i32
      %rem3A_98 = arith.remsi %rem3A_96, %rem3A_97 : i32
      %dma_start3A_99 = arith.constant 4 : i32
      %dma_start3A_100 = tpu.memref_slice %arg14[%rem3A_98, %dma_start3A_99] : memref<2x8x!tpu.dma_semaphore, #tpu.memory_space<semaphore_mem>> -> memref<1x1x!tpu.dma_semaphore, #tpu.memory_space<semaphore_mem>>
      %dma_start3A_101 = tpu.memref_squeeze %dma_start3A_100 : memref<1x1x!tpu.dma_semaphore, #tpu.memory_space<semaphore_mem>> -> memref<!tpu.dma_semaphore, #tpu.memory_space<semaphore_mem>>
      %dma_start3A_102 = arith.constant 512 : i32
      %dma_start3A_103 = arith.constant 99328 : i32
      %dma_start3A_104 = tpu.memref_slice %arg4[%dma_start3A_102, %dma_start3A_103] : memref<1024x100000xf32, #tpu.memory_space<hbm>> -> memref<128x672xf32, #tpu.memory_space<hbm>>
      %dma_start3A_105 = arith.constant 512 : i32
      %dma_start3A_106 = arith.constant 0 : i32
      %dma_start3A_107 = tpu.memref_slice %arg10[%dma_start3A_105, %dma_start3A_106] : memref<1024x672xf32, #tpu.memory_space<vmem>> -> memref<128x672xf32, #tpu.memory_space<vmem>>
      tpu.enqueue_dma source(%dma_start3A_107 : memref<128x672xf32, #tpu.memory_space<vmem>>) target(%dma_start3A_104 : memref<128x672xf32, #tpu.memory_space<hbm>>) target_semaphore(%dma_start3A_101 : memref<!tpu.dma_semaphore, #tpu.memory_space<semaphore_mem>>)
      %rem3A_108 = arith.constant 97 : i32
      %rem3A_109 = arith.constant 2 : i32
      %rem3A_110 = arith.remsi %rem3A_108, %rem3A_109 : i32
      %dma_start3A_111 = arith.constant 5 : i32
      %dma_start3A_112 = tpu.memref_slice %arg14[%rem3A_110, %dma_start3A_111] : memref<2x8x!tpu.dma_semaphore, #tpu.memory_space<semaphore_mem>> -> memref<1x1x!tpu.dma_semaphore, #tpu.memory_space<semaphore_mem>>
      %dma_start3A_113 = tpu.memref_squeeze %dma_start3A_112 : memref<1x1x!tpu.dma_semaphore, #tpu.memory_space<semaphore_mem>> -> memref<!tpu.dma_semaphore, #tpu.memory_space<semaphore_mem>>
      %dma_start3A_114 = arith.constant 640 : i32
      %dma_start3A_115 = arith.constant 99328 : i32
      %dma_start3A_116 = tpu.memref_slice %arg4[%dma_start3A_114, %dma_start3A_115] : memref<1024x100000xf32, #tpu.memory_space<hbm>> -> memref<128x672xf32, #tpu.memory_space<hbm>>
      %dma_start3A_117 = arith.constant 640 : i32
      %dma_start3A_118 = arith.constant 0 : i32
      %dma_start3A_119 = tpu.memref_slice %arg10[%dma_start3A_117, %dma_start3A_118] : memref<1024x672xf32, #tpu.memory_space<vmem>> -> memref<128x672xf32, #tpu.memory_space<vmem>>
      tpu.enqueue_dma source(%dma_start3A_119 : memref<128x672xf32, #tpu.memory_space<vmem>>) target(%dma_start3A_116 : memref<128x672xf32, #tpu.memory_space<hbm>>) target_semaphore(%dma_start3A_113 : memref<!tpu.dma_semaphore, #tpu.memory_space<semaphore_mem>>)
      %rem3A_120 = arith.constant 97 : i32
      %rem3A_121 = arith.constant 2 : i32
      %rem3A_122 = arith.remsi %rem3A_120, %rem3A_121 : i32
      %dma_start3A_123 = arith.constant 6 : i32
      %dma_start3A_124 = tpu.memref_slice %arg14[%rem3A_122, %dma_start3A_123] : memref<2x8x!tpu.dma_semaphore, #tpu.memory_space<semaphore_mem>> -> memref<1x1x!tpu.dma_semaphore, #tpu.memory_space<semaphore_mem>>
      %dma_start3A_125 = tpu.memref_squeeze %dma_start3A_124 : memref<1x1x!tpu.dma_semaphore, #tpu.memory_space<semaphore_mem>> -> memref<!tpu.dma_semaphore, #tpu.memory_space<semaphore_mem>>
      %dma_start3A_126 = arith.constant 768 : i32
      %dma_start3A_127 = arith.constant 99328 : i32
      %dma_start3A_128 = tpu.memref_slice %arg4[%dma_start3A_126, %dma_start3A_127] : memref<1024x100000xf32, #tpu.memory_space<hbm>> -> memref<128x672xf32, #tpu.memory_space<hbm>>
      %dma_start3A_129 = arith.constant 768 : i32
      %dma_start3A_130 = arith.constant 0 : i32
      %dma_start3A_131 = tpu.memref_slice %arg10[%dma_start3A_129, %dma_start3A_130] : memref<1024x672xf32, #tpu.memory_space<vmem>> -> memref<128x672xf32, #tpu.memory_space<vmem>>
      tpu.enqueue_dma source(%dma_start3A_131 : memref<128x672xf32, #tpu.memory_space<vmem>>) target(%dma_start3A_128 : memref<128x672xf32, #tpu.memory_space<hbm>>) target_semaphore(%dma_start3A_125 : memref<!tpu.dma_semaphore, #tpu.memory_space<semaphore_mem>>)
      %rem3A_132 = arith.constant 97 : i32
      %rem3A_133 = arith.constant 2 : i32
      %rem3A_134 = arith.remsi %rem3A_132, %rem3A_133 : i32
      %dma_start3A_135 = arith.constant 7 : i32
      %dma_start3A_136 = tpu.memref_slice %arg14[%rem3A_134, %dma_start3A_135] : memref<2x8x!tpu.dma_semaphore, #tpu.memory_space<semaphore_mem>> -> memref<1x1x!tpu.dma_semaphore, #tpu.memory_space<semaphore_mem>>
      %dma_start3A_137 = tpu.memref_squeeze %dma_start3A_136 : memref<1x1x!tpu.dma_semaphore, #tpu.memory_space<semaphore_mem>> -> memref<!tpu.dma_semaphore, #tpu.memory_space<semaphore_mem>>
      %dma_start3A_138 = arith.constant 896 : i32
      %dma_start3A_139 = arith.constant 99328 : i32
      %dma_start3A_140 = tpu.memref_slice %arg4[%dma_start3A_138, %dma_start3A_139] : memref<1024x100000xf32, #tpu.memory_space<hbm>> -> memref<128x672xf32, #tpu.memory_space<hbm>>
      %dma_start3A_141 = arith.constant 896 : i32
      %dma_start3A_142 = arith.constant 0 : i32
      %dma_start3A_143 = tpu.memref_slice %arg10[%dma_start3A_141, %dma_start3A_142] : memref<1024x672xf32, #tpu.memory_space<vmem>> -> memref<128x672xf32, #tpu.memory_space<vmem>>
      tpu.enqueue_dma source(%dma_start3A_143 : memref<128x672xf32, #tpu.memory_space<vmem>>) target(%dma_start3A_140 : memref<128x672xf32, #tpu.memory_space<hbm>>) target_semaphore(%dma_start3A_137 : memref<!tpu.dma_semaphore, #tpu.memory_space<semaphore_mem>>)
      %rem3A_144 = arith.constant 97 : i32
      %rem3A_145 = arith.constant 2 : i32
      %rem3A_146 = arith.remsi %rem3A_144, %rem3A_145 : i32
      %dma_wait3A = arith.constant 0 : i32
      %dma_wait3A_147 = tpu.memref_slice %arg14[%rem3A_146, %dma_wait3A] : memref<2x8x!tpu.dma_semaphore, #tpu.memory_space<semaphore_mem>> -> memref<1x1x!tpu.dma_semaphore, #tpu.memory_space<semaphore_mem>>
      %dma_wait3A_148 = tpu.memref_squeeze %dma_wait3A_147 : memref<1x1x!tpu.dma_semaphore, #tpu.memory_space<semaphore_mem>> -> memref<!tpu.dma_semaphore, #tpu.memory_space<semaphore_mem>>
      %dma_wait3A_149 = arith.constant 0 : i32
      %dma_wait3A_150 = arith.constant 99328 : i32
      %dma_wait3A_151 = tpu.memref_slice %arg4[%dma_wait3A_149, %dma_wait3A_150] : memref<1024x100000xf32, #tpu.memory_space<hbm>> -> memref<128x672xf32, #tpu.memory_space<hbm>>
      %dma_wait3A_152 = arith.constant 0 : i32
      %dma_wait3A_153 = arith.constant 0 : i32
      %dma_wait3A_154 = tpu.memref_slice %arg10[%dma_wait3A_152, %dma_wait3A_153] : memref<1024x672xf32, #tpu.memory_space<vmem>> -> memref<128x672xf32, #tpu.memory_space<vmem>>
      tpu.wait_dma2 semaphore(%dma_wait3A_148 : memref<!tpu.dma_semaphore, #tpu.memory_space<semaphore_mem>>) src(%dma_wait3A_154 : memref<128x672xf32, #tpu.memory_space<vmem>>) dst(%dma_wait3A_151 : memref<128x672xf32, #tpu.memory_space<hbm>>)
      %rem3A_155 = arith.constant 97 : i32
      %rem3A_156 = arith.constant 2 : i32
      %rem3A_157 = arith.remsi %rem3A_155, %rem3A_156 : i32
      %dma_wait3A_158 = arith.constant 1 : i32
      %dma_wait3A_159 = tpu.memref_slice %arg14[%rem3A_157, %dma_wait3A_158] : memref<2x8x!tpu.dma_semaphore, #tpu.memory_space<semaphore_mem>> -> memref<1x1x!tpu.dma_semaphore, #tpu.memory_space<semaphore_mem>>
      %dma_wait3A_160 = tpu.memref_squeeze %dma_wait3A_159 : memref<1x1x!tpu.dma_semaphore, #tpu.memory_space<semaphore_mem>> -> memref<!tpu.dma_semaphore, #tpu.memory_space<semaphore_mem>>
      %dma_wait3A_161 = arith.constant 128 : i32
      %dma_wait3A_162 = arith.constant 99328 : i32
      %dma_wait3A_163 = tpu.memref_slice %arg4[%dma_wait3A_161, %dma_wait3A_162] : memref<1024x100000xf32, #tpu.memory_space<hbm>> -> memref<128x672xf32, #tpu.memory_space<hbm>>
      %dma_wait3A_164 = arith.constant 128 : i32
      %dma_wait3A_165 = arith.constant 0 : i32
      %dma_wait3A_166 = tpu.memref_slice %arg10[%dma_wait3A_164, %dma_wait3A_165] : memref<1024x672xf32, #tpu.memory_space<vmem>> -> memref<128x672xf32, #tpu.memory_space<vmem>>
      tpu.wait_dma2 semaphore(%dma_wait3A_160 : memref<!tpu.dma_semaphore, #tpu.memory_space<semaphore_mem>>) src(%dma_wait3A_166 : memref<128x672xf32, #tpu.memory_space<vmem>>) dst(%dma_wait3A_163 : memref<128x672xf32, #tpu.memory_space<hbm>>)
      %rem3A_167 = arith.constant 97 : i32
      %rem3A_168 = arith.constant 2 : i32
      %rem3A_169 = arith.remsi %rem3A_167, %rem3A_168 : i32
      %dma_wait3A_170 = arith.constant 2 : i32
      %dma_wait3A_171 = tpu.memref_slice %arg14[%rem3A_169, %dma_wait3A_170] : memref<2x8x!tpu.dma_semaphore, #tpu.memory_space<semaphore_mem>> -> memref<1x1x!tpu.dma_semaphore, #tpu.memory_space<semaphore_mem>>
      %dma_wait3A_172 = tpu.memref_squeeze %dma_wait3A_171 : memref<1x1x!tpu.dma_semaphore, #tpu.memory_space<semaphore_mem>> -> memref<!tpu.dma_semaphore, #tpu.memory_space<semaphore_mem>>
      %dma_wait3A_173 = arith.constant 256 : i32
      %dma_wait3A_174 = arith.constant 99328 : i32
      %dma_wait3A_175 = tpu.memref_slice %arg4[%dma_wait3A_173, %dma_wait3A_174] : memref<1024x100000xf32, #tpu.memory_space<hbm>> -> memref<128x672xf32, #tpu.memory_space<hbm>>
      %dma_wait3A_176 = arith.constant 256 : i32
      %dma_wait3A_177 = arith.constant 0 : i32
      %dma_wait3A_178 = tpu.memref_slice %arg10[%dma_wait3A_176, %dma_wait3A_177] : memref<1024x672xf32, #tpu.memory_space<vmem>> -> memref<128x672xf32, #tpu.memory_space<vmem>>
      tpu.wait_dma2 semaphore(%dma_wait3A_172 : memref<!tpu.dma_semaphore, #tpu.memory_space<semaphore_mem>>) src(%dma_wait3A_178 : memref<128x672xf32, #tpu.memory_space<vmem>>) dst(%dma_wait3A_175 : memref<128x672xf32, #tpu.memory_space<hbm>>)
      %rem3A_179 = arith.constant 97 : i32
      %rem3A_180 = arith.constant 2 : i32
      %rem3A_181 = arith.remsi %rem3A_179, %rem3A_180 : i32
      %dma_wait3A_182 = arith.constant 3 : i32
      %dma_wait3A_183 = tpu.memref_slice %arg14[%rem3A_181, %dma_wait3A_182] : memref<2x8x!tpu.dma_semaphore, #tpu.memory_space<semaphore_mem>> -> memref<1x1x!tpu.dma_semaphore, #tpu.memory_space<semaphore_mem>>
      %dma_wait3A_184 = tpu.memref_squeeze %dma_wait3A_183 : memref<1x1x!tpu.dma_semaphore, #tpu.memory_space<semaphore_mem>> -> memref<!tpu.dma_semaphore, #tpu.memory_space<semaphore_mem>>
      %dma_wait3A_185 = arith.constant 384 : i32
      %dma_wait3A_186 = arith.constant 99328 : i32
      %dma_wait3A_187 = tpu.memref_slice %arg4[%dma_wait3A_185, %dma_wait3A_186] : memref<1024x100000xf32, #tpu.memory_space<hbm>> -> memref<128x672xf32, #tpu.memory_space<hbm>>
      %dma_wait3A_188 = arith.constant 384 : i32
      %dma_wait3A_189 = arith.constant 0 : i32
      %dma_wait3A_190 = tpu.memref_slice %arg10[%dma_wait3A_188, %dma_wait3A_189] : memref<1024x672xf32, #tpu.memory_space<vmem>> -> memref<128x672xf32, #tpu.memory_space<vmem>>
      tpu.wait_dma2 semaphore(%dma_wait3A_184 : memref<!tpu.dma_semaphore, #tpu.memory_space<semaphore_mem>>) src(%dma_wait3A_190 : memref<128x672xf32, #tpu.memory_space<vmem>>) dst(%dma_wait3A_187 : memref<128x672xf32, #tpu.memory_space<hbm>>)
      %rem3A_191 = arith.constant 97 : i32
      %rem3A_192 = arith.constant 2 : i32
      %rem3A_193 = arith.remsi %rem3A_191, %rem3A_192 : i32
      %dma_wait3A_194 = arith.constant 4 : i32
      %dma_wait3A_195 = tpu.memref_slice %arg14[%rem3A_193, %dma_wait3A_194] : memref<2x8x!tpu.dma_semaphore, #tpu.memory_space<semaphore_mem>> -> memref<1x1x!tpu.dma_semaphore, #tpu.memory_space<semaphore_mem>>
      %dma_wait3A_196 = tpu.memref_squeeze %dma_wait3A_195 : memref<1x1x!tpu.dma_semaphore, #tpu.memory_space<semaphore_mem>> -> memref<!tpu.dma_semaphore, #tpu.memory_space<semaphore_mem>>
      %dma_wait3A_197 = arith.constant 512 : i32
      %dma_wait3A_198 = arith.constant 99328 : i32
      %dma_wait3A_199 = tpu.memref_slice %arg4[%dma_wait3A_197, %dma_wait3A_198] : memref<1024x100000xf32, #tpu.memory_space<hbm>> -> memref<128x672xf32, #tpu.memory_space<hbm>>
      %dma_wait3A_200 = arith.constant 512 : i32
      %dma_wait3A_201 = arith.constant 0 : i32
      %dma_wait3A_202 = tpu.memref_slice %arg10[%dma_wait3A_200, %dma_wait3A_201] : memref<1024x672xf32, #tpu.memory_space<vmem>> -> memref<128x672xf32, #tpu.memory_space<vmem>>
      tpu.wait_dma2 semaphore(%dma_wait3A_196 : memref<!tpu.dma_semaphore, #tpu.memory_space<semaphore_mem>>) src(%dma_wait3A_202 : memref<128x672xf32, #tpu.memory_space<vmem>>) dst(%dma_wait3A_199 : memref<128x672xf32, #tpu.memory_space<hbm>>)
      %rem3A_203 = arith.constant 97 : i32
      %rem3A_204 = arith.constant 2 : i32
      %rem3A_205 = arith.remsi %rem3A_203, %rem3A_204 : i32
      %dma_wait3A_206 = arith.constant 5 : i32
      %dma_wait3A_207 = tpu.memref_slice %arg14[%rem3A_205, %dma_wait3A_206] : memref<2x8x!tpu.dma_semaphore, #tpu.memory_space<semaphore_mem>> -> memref<1x1x!tpu.dma_semaphore, #tpu.memory_space<semaphore_mem>>
      %dma_wait3A_208 = tpu.memref_squeeze %dma_wait3A_207 : memref<1x1x!tpu.dma_semaphore, #tpu.memory_space<semaphore_mem>> -> memref<!tpu.dma_semaphore, #tpu.memory_space<semaphore_mem>>
      %dma_wait3A_209 = arith.constant 640 : i32
      %dma_wait3A_210 = arith.constant 99328 : i32
      %dma_wait3A_211 = tpu.memref_slice %arg4[%dma_wait3A_209, %dma_wait3A_210] : memref<1024x100000xf32, #tpu.memory_space<hbm>> -> memref<128x672xf32, #tpu.memory_space<hbm>>
      %dma_wait3A_212 = arith.constant 640 : i32
      %dma_wait3A_213 = arith.constant 0 : i32
      %dma_wait3A_214 = tpu.memref_slice %arg10[%dma_wait3A_212, %dma_wait3A_213] : memref<1024x672xf32, #tpu.memory_space<vmem>> -> memref<128x672xf32, #tpu.memory_space<vmem>>
      tpu.wait_dma2 semaphore(%dma_wait3A_208 : memref<!tpu.dma_semaphore, #tpu.memory_space<semaphore_mem>>) src(%dma_wait3A_214 : memref<128x672xf32, #tpu.memory_space<vmem>>) dst(%dma_wait3A_211 : memref<128x672xf32, #tpu.memory_space<hbm>>)
      %rem3A_215 = arith.constant 97 : i32
      %rem3A_216 = arith.constant 2 : i32
      %rem3A_217 = arith.remsi %rem3A_215, %rem3A_216 : i32
      %dma_wait3A_218 = arith.constant 6 : i32
      %dma_wait3A_219 = tpu.memref_slice %arg14[%rem3A_217, %dma_wait3A_218] : memref<2x8x!tpu.dma_semaphore, #tpu.memory_space<semaphore_mem>> -> memref<1x1x!tpu.dma_semaphore, #tpu.memory_space<semaphore_mem>>
      %dma_wait3A_220 = tpu.memref_squeeze %dma_wait3A_219 : memref<1x1x!tpu.dma_semaphore, #tpu.memory_space<semaphore_mem>> -> memref<!tpu.dma_semaphore, #tpu.memory_space<semaphore_mem>>
      %dma_wait3A_221 = arith.constant 768 : i32
      %dma_wait3A_222 = arith.constant 99328 : i32
      %dma_wait3A_223 = tpu.memref_slice %arg4[%dma_wait3A_221, %dma_wait3A_222] : memref<1024x100000xf32, #tpu.memory_space<hbm>> -> memref<128x672xf32, #tpu.memory_space<hbm>>
      %dma_wait3A_224 = arith.constant 768 : i32
      %dma_wait3A_225 = arith.constant 0 : i32
      %dma_wait3A_226 = tpu.memref_slice %arg10[%dma_wait3A_224, %dma_wait3A_225] : memref<1024x672xf32, #tpu.memory_space<vmem>> -> memref<128x672xf32, #tpu.memory_space<vmem>>
      tpu.wait_dma2 semaphore(%dma_wait3A_220 : memref<!tpu.dma_semaphore, #tpu.memory_space<semaphore_mem>>) src(%dma_wait3A_226 : memref<128x672xf32, #tpu.memory_space<vmem>>) dst(%dma_wait3A_223 : memref<128x672xf32, #tpu.memory_space<hbm>>)
      %rem3A_227 = arith.constant 97 : i32
      %rem3A_228 = arith.constant 2 : i32
      %rem3A_229 = arith.remsi %rem3A_227, %rem3A_228 : i32
      %dma_wait3A_230 = arith.constant 7 : i32
      %dma_wait3A_231 = tpu.memref_slice %arg14[%rem3A_229, %dma_wait3A_230] : memref<2x8x!tpu.dma_semaphore, #tpu.memory_space<semaphore_mem>> -> memref<1x1x!tpu.dma_semaphore, #tpu.memory_space<semaphore_mem>>
      %dma_wait3A_232 = tpu.memref_squeeze %dma_wait3A_231 : memref<1x1x!tpu.dma_semaphore, #tpu.memory_space<semaphore_mem>> -> memref<!tpu.dma_semaphore, #tpu.memory_space<semaphore_mem>>
      %dma_wait3A_233 = arith.constant 896 : i32
      %dma_wait3A_234 = arith.constant 99328 : i32
      %dma_wait3A_235 = tpu.memref_slice %arg4[%dma_wait3A_233, %dma_wait3A_234] : memref<1024x100000xf32, #tpu.memory_space<hbm>> -> memref<128x672xf32, #tpu.memory_space<hbm>>
      %dma_wait3A_236 = arith.constant 896 : i32
      %dma_wait3A_237 = arith.constant 0 : i32
      %dma_wait3A_238 = tpu.memref_slice %arg10[%dma_wait3A_236, %dma_wait3A_237] : memref<1024x672xf32, #tpu.memory_space<vmem>> -> memref<128x672xf32, #tpu.memory_space<vmem>>
      tpu.wait_dma2 semaphore(%dma_wait3A_232 : memref<!tpu.dma_semaphore, #tpu.memory_space<semaphore_mem>>) src(%dma_wait3A_238 : memref<128x672xf32, #tpu.memory_space<vmem>>) dst(%dma_wait3A_235 : memref<128x672xf32, #tpu.memory_space<hbm>>)
      %sub3A = arith.constant 1 : i32
      %sub3A_239 = arith.subi %sub3A, %rem3A_0 : i32
      %dma_wait3A_240 = arith.constant 0 : i32
      %dma_wait3A_241 = tpu.memref_slice %arg14[%sub3A_239, %dma_wait3A_240] : memref<2x8x!tpu.dma_semaphore, #tpu.memory_space<semaphore_mem>> -> memref<1x1x!tpu.dma_semaphore, #tpu.memory_space<semaphore_mem>>
      %dma_wait3A_242 = tpu.memref_squeeze %dma_wait3A_241 : memref<1x1x!tpu.dma_semaphore, #tpu.memory_space<semaphore_mem>> -> memref<!tpu.dma_semaphore, #tpu.memory_space<semaphore_mem>>
      %dma_wait3A_243 = arith.constant 0 : i32
      %dma_wait3A_244 = arith.constant 0 : i32
      %dma_wait3A_245 = tpu.memref_slice %arg4[%dma_wait3A_243, %dma_wait3A_244] : memref<1024x100000xf32, #tpu.memory_space<hbm>> -> memref<128x1024xf32, #tpu.memory_space<hbm>>
      %dma_wait3A_246 = arith.constant 0 : i32
      %dma_wait3A_247 = arith.constant 0 : i32
      %dma_wait3A_248 = tpu.memref_slice %arg9[%sub3A_239, %dma_wait3A_246, %dma_wait3A_247] : memref<2x1024x1024xf32, #tpu.memory_space<vmem>> -> memref<1x128x1024xf32, #tpu.memory_space<vmem>>
      %dma_wait3A_249 = tpu.memref_squeeze %dma_wait3A_248 : memref<1x128x1024xf32, #tpu.memory_space<vmem>> -> memref<128x1024xf32, #tpu.memory_space<vmem>>
      tpu.wait_dma2 semaphore(%dma_wait3A_242 : memref<!tpu.dma_semaphore, #tpu.memory_space<semaphore_mem>>) src(%dma_wait3A_249 : memref<128x1024xf32, #tpu.memory_space<vmem>>) dst(%dma_wait3A_245 : memref<128x1024xf32, #tpu.memory_space<hbm>>)
      %sub3A_250 = arith.constant 1 : i32
      %sub3A_251 = arith.subi %sub3A_250, %rem3A_0 : i32
      %dma_wait3A_252 = arith.constant 1 : i32
      %dma_wait3A_253 = tpu.memref_slice %arg14[%sub3A_251, %dma_wait3A_252] : memref<2x8x!tpu.dma_semaphore, #tpu.memory_space<semaphore_mem>> -> memref<1x1x!tpu.dma_semaphore, #tpu.memory_space<semaphore_mem>>
      %dma_wait3A_254 = tpu.memref_squeeze %dma_wait3A_253 : memref<1x1x!tpu.dma_semaphore, #tpu.memory_space<semaphore_mem>> -> memref<!tpu.dma_semaphore, #tpu.memory_space<semaphore_mem>>
      %dma_wait3A_255 = arith.constant 128 : i32
      %dma_wait3A_256 = arith.constant 0 : i32
      %dma_wait3A_257 = tpu.memref_slice %arg4[%dma_wait3A_255, %dma_wait3A_256] : memref<1024x100000xf32, #tpu.memory_space<hbm>> -> memref<128x1024xf32, #tpu.memory_space<hbm>>
      %dma_wait3A_258 = arith.constant 128 : i32
      %dma_wait3A_259 = arith.constant 0 : i32
      %dma_wait3A_260 = tpu.memref_slice %arg9[%sub3A_251, %dma_wait3A_258, %dma_wait3A_259] : memref<2x1024x1024xf32, #tpu.memory_space<vmem>> -> memref<1x128x1024xf32, #tpu.memory_space<vmem>>
      %dma_wait3A_261 = tpu.memref_squeeze %dma_wait3A_260 : memref<1x128x1024xf32, #tpu.memory_space<vmem>> -> memref<128x1024xf32, #tpu.memory_space<vmem>>
      tpu.wait_dma2 semaphore(%dma_wait3A_254 : memref<!tpu.dma_semaphore, #tpu.memory_space<semaphore_mem>>) src(%dma_wait3A_261 : memref<128x1024xf32, #tpu.memory_space<vmem>>) dst(%dma_wait3A_257 : memref<128x1024xf32, #tpu.memory_space<hbm>>)
      %sub3A_262 = arith.constant 1 : i32
      %sub3A_263 = arith.subi %sub3A_262, %rem3A_0 : i32
      %dma_wait3A_264 = arith.constant 2 : i32
      %dma_wait3A_265 = tpu.memref_slice %arg14[%sub3A_263, %dma_wait3A_264] : memref<2x8x!tpu.dma_semaphore, #tpu.memory_space<semaphore_mem>> -> memref<1x1x!tpu.dma_semaphore, #tpu.memory_space<semaphore_mem>>
      %dma_wait3A_266 = tpu.memref_squeeze %dma_wait3A_265 : memref<1x1x!tpu.dma_semaphore, #tpu.memory_space<semaphore_mem>> -> memref<!tpu.dma_semaphore, #tpu.memory_space<semaphore_mem>>
      %dma_wait3A_267 = arith.constant 256 : i32
      %dma_wait3A_268 = arith.constant 0 : i32
      %dma_wait3A_269 = tpu.memref_slice %arg4[%dma_wait3A_267, %dma_wait3A_268] : memref<1024x100000xf32, #tpu.memory_space<hbm>> -> memref<128x1024xf32, #tpu.memory_space<hbm>>
      %dma_wait3A_270 = arith.constant 256 : i32
      %dma_wait3A_271 = arith.constant 0 : i32
      %dma_wait3A_272 = tpu.memref_slice %arg9[%sub3A_263, %dma_wait3A_270, %dma_wait3A_271] : memref<2x1024x1024xf32, #tpu.memory_space<vmem>> -> memref<1x128x1024xf32, #tpu.memory_space<vmem>>
      %dma_wait3A_273 = tpu.memref_squeeze %dma_wait3A_272 : memref<1x128x1024xf32, #tpu.memory_space<vmem>> -> memref<128x1024xf32, #tpu.memory_space<vmem>>
      tpu.wait_dma2 semaphore(%dma_wait3A_266 : memref<!tpu.dma_semaphore, #tpu.memory_space<semaphore_mem>>) src(%dma_wait3A_273 : memref<128x1024xf32, #tpu.memory_space<vmem>>) dst(%dma_wait3A_269 : memref<128x1024xf32, #tpu.memory_space<hbm>>)
      %sub3A_274 = arith.constant 1 : i32
      %sub3A_275 = arith.subi %sub3A_274, %rem3A_0 : i32
      %dma_wait3A_276 = arith.constant 3 : i32
      %dma_wait3A_277 = tpu.memref_slice %arg14[%sub3A_275, %dma_wait3A_276] : memref<2x8x!tpu.dma_semaphore, #tpu.memory_space<semaphore_mem>> -> memref<1x1x!tpu.dma_semaphore, #tpu.memory_space<semaphore_mem>>
      %dma_wait3A_278 = tpu.memref_squeeze %dma_wait3A_277 : memref<1x1x!tpu.dma_semaphore, #tpu.memory_space<semaphore_mem>> -> memref<!tpu.dma_semaphore, #tpu.memory_space<semaphore_mem>>
      %dma_wait3A_279 = arith.constant 384 : i32
      %dma_wait3A_280 = arith.constant 0 : i32
      %dma_wait3A_281 = tpu.memref_slice %arg4[%dma_wait3A_279, %dma_wait3A_280] : memref<1024x100000xf32, #tpu.memory_space<hbm>> -> memref<128x1024xf32, #tpu.memory_space<hbm>>
      %dma_wait3A_282 = arith.constant 384 : i32
      %dma_wait3A_283 = arith.constant 0 : i32
      %dma_wait3A_284 = tpu.memref_slice %arg9[%sub3A_275, %dma_wait3A_282, %dma_wait3A_283] : memref<2x1024x1024xf32, #tpu.memory_space<vmem>> -> memref<1x128x1024xf32, #tpu.memory_space<vmem>>
      %dma_wait3A_285 = tpu.memref_squeeze %dma_wait3A_284 : memref<1x128x1024xf32, #tpu.memory_space<vmem>> -> memref<128x1024xf32, #tpu.memory_space<vmem>>
      tpu.wait_dma2 semaphore(%dma_wait3A_278 : memref<!tpu.dma_semaphore, #tpu.memory_space<semaphore_mem>>) src(%dma_wait3A_285 : memref<128x1024xf32, #tpu.memory_space<vmem>>) dst(%dma_wait3A_281 : memref<128x1024xf32, #tpu.memory_space<hbm>>)
      %sub3A_286 = arith.constant 1 : i32
      %sub3A_287 = arith.subi %sub3A_286, %rem3A_0 : i32
      %dma_wait3A_288 = arith.constant 4 : i32
      %dma_wait3A_289 = tpu.memref_slice %arg14[%sub3A_287, %dma_wait3A_288] : memref<2x8x!tpu.dma_semaphore, #tpu.memory_space<semaphore_mem>> -> memref<1x1x!tpu.dma_semaphore, #tpu.memory_space<semaphore_mem>>
      %dma_wait3A_290 = tpu.memref_squeeze %dma_wait3A_289 : memref<1x1x!tpu.dma_semaphore, #tpu.memory_space<semaphore_mem>> -> memref<!tpu.dma_semaphore, #tpu.memory_space<semaphore_mem>>
      %dma_wait3A_291 = arith.constant 512 : i32
      %dma_wait3A_292 = arith.constant 0 : i32
      %dma_wait3A_293 = tpu.memref_slice %arg4[%dma_wait3A_291, %dma_wait3A_292] : memref<1024x100000xf32, #tpu.memory_space<hbm>> -> memref<128x1024xf32, #tpu.memory_space<hbm>>
      %dma_wait3A_294 = arith.constant 512 : i32
      %dma_wait3A_295 = arith.constant 0 : i32
      %dma_wait3A_296 = tpu.memref_slice %arg9[%sub3A_287, %dma_wait3A_294, %dma_wait3A_295] : memref<2x1024x1024xf32, #tpu.memory_space<vmem>> -> memref<1x128x1024xf32, #tpu.memory_space<vmem>>
      %dma_wait3A_297 = tpu.memref_squeeze %dma_wait3A_296 : memref<1x128x1024xf32, #tpu.memory_space<vmem>> -> memref<128x1024xf32, #tpu.memory_space<vmem>>
      tpu.wait_dma2 semaphore(%dma_wait3A_290 : memref<!tpu.dma_semaphore, #tpu.memory_space<semaphore_mem>>) src(%dma_wait3A_297 : memref<128x1024xf32, #tpu.memory_space<vmem>>) dst(%dma_wait3A_293 : memref<128x1024xf32, #tpu.memory_space<hbm>>)
      %sub3A_298 = arith.constant 1 : i32
      %sub3A_299 = arith.subi %sub3A_298, %rem3A_0 : i32
      %dma_wait3A_300 = arith.constant 5 : i32
      %dma_wait3A_301 = tpu.memref_slice %arg14[%sub3A_299, %dma_wait3A_300] : memref<2x8x!tpu.dma_semaphore, #tpu.memory_space<semaphore_mem>> -> memref<1x1x!tpu.dma_semaphore, #tpu.memory_space<semaphore_mem>>
      %dma_wait3A_302 = tpu.memref_squeeze %dma_wait3A_301 : memref<1x1x!tpu.dma_semaphore, #tpu.memory_space<semaphore_mem>> -> memref<!tpu.dma_semaphore, #tpu.memory_space<semaphore_mem>>
      %dma_wait3A_303 = arith.constant 640 : i32
      %dma_wait3A_304 = arith.constant 0 : i32
      %dma_wait3A_305 = tpu.memref_slice %arg4[%dma_wait3A_303, %dma_wait3A_304] : memref<1024x100000xf32, #tpu.memory_space<hbm>> -> memref<128x1024xf32, #tpu.memory_space<hbm>>
      %dma_wait3A_306 = arith.constant 640 : i32
      %dma_wait3A_307 = arith.constant 0 : i32
      %dma_wait3A_308 = tpu.memref_slice %arg9[%sub3A_299, %dma_wait3A_306, %dma_wait3A_307] : memref<2x1024x1024xf32, #tpu.memory_space<vmem>> -> memref<1x128x1024xf32, #tpu.memory_space<vmem>>
      %dma_wait3A_309 = tpu.memref_squeeze %dma_wait3A_308 : memref<1x128x1024xf32, #tpu.memory_space<vmem>> -> memref<128x1024xf32, #tpu.memory_space<vmem>>
      tpu.wait_dma2 semaphore(%dma_wait3A_302 : memref<!tpu.dma_semaphore, #tpu.memory_space<semaphore_mem>>) src(%dma_wait3A_309 : memref<128x1024xf32, #tpu.memory_space<vmem>>) dst(%dma_wait3A_305 : memref<128x1024xf32, #tpu.memory_space<hbm>>)
      %sub3A_310 = arith.constant 1 : i32
      %sub3A_311 = arith.subi %sub3A_310, %rem3A_0 : i32
      %dma_wait3A_312 = arith.constant 6 : i32
      %dma_wait3A_313 = tpu.memref_slice %arg14[%sub3A_311, %dma_wait3A_312] : memref<2x8x!tpu.dma_semaphore, #tpu.memory_space<semaphore_mem>> -> memref<1x1x!tpu.dma_semaphore, #tpu.memory_space<semaphore_mem>>
      %dma_wait3A_314 = tpu.memref_squeeze %dma_wait3A_313 : memref<1x1x!tpu.dma_semaphore, #tpu.memory_space<semaphore_mem>> -> memref<!tpu.dma_semaphore, #tpu.memory_space<semaphore_mem>>
      %dma_wait3A_315 = arith.constant 768 : i32
      %dma_wait3A_316 = arith.constant 0 : i32
      %dma_wait3A_317 = tpu.memref_slice %arg4[%dma_wait3A_315, %dma_wait3A_316] : memref<1024x100000xf32, #tpu.memory_space<hbm>> -> memref<128x1024xf32, #tpu.memory_space<hbm>>
      %dma_wait3A_318 = arith.constant 768 : i32
      %dma_wait3A_319 = arith.constant 0 : i32
      %dma_wait3A_320 = tpu.memref_slice %arg9[%sub3A_311, %dma_wait3A_318, %dma_wait3A_319] : memref<2x1024x1024xf32, #tpu.memory_space<vmem>> -> memref<1x128x1024xf32, #tpu.memory_space<vmem>>
      %dma_wait3A_321 = tpu.memref_squeeze %dma_wait3A_320 : memref<1x128x1024xf32, #tpu.memory_space<vmem>> -> memref<128x1024xf32, #tpu.memory_space<vmem>>
      tpu.wait_dma2 semaphore(%dma_wait3A_314 : memref<!tpu.dma_semaphore, #tpu.memory_space<semaphore_mem>>) src(%dma_wait3A_321 : memref<128x1024xf32, #tpu.memory_space<vmem>>) dst(%dma_wait3A_317 : memref<128x1024xf32, #tpu.memory_space<hbm>>)
      %sub3A_322 = arith.constant 1 : i32
      %sub3A_323 = arith.subi %sub3A_322, %rem3A_0 : i32
      %dma_wait3A_324 = arith.constant 7 : i32
      %dma_wait3A_325 = tpu.memref_slice %arg14[%sub3A_323, %dma_wait3A_324] : memref<2x8x!tpu.dma_semaphore, #tpu.memory_space<semaphore_mem>> -> memref<1x1x!tpu.dma_semaphore, #tpu.memory_space<semaphore_mem>>
      %dma_wait3A_326 = tpu.memref_squeeze %dma_wait3A_325 : memref<1x1x!tpu.dma_semaphore, #tpu.memory_space<semaphore_mem>> -> memref<!tpu.dma_semaphore, #tpu.memory_space<semaphore_mem>>
      %dma_wait3A_327 = arith.constant 896 : i32
      %dma_wait3A_328 = arith.constant 0 : i32
      %dma_wait3A_329 = tpu.memref_slice %arg4[%dma_wait3A_327, %dma_wait3A_328] : memref<1024x100000xf32, #tpu.memory_space<hbm>> -> memref<128x1024xf32, #tpu.memory_space<hbm>>
      %dma_wait3A_330 = arith.constant 896 : i32
      %dma_wait3A_331 = arith.constant 0 : i32
      %dma_wait3A_332 = tpu.memref_slice %arg9[%sub3A_323, %dma_wait3A_330, %dma_wait3A_331] : memref<2x1024x1024xf32, #tpu.memory_space<vmem>> -> memref<1x128x1024xf32, #tpu.memory_space<vmem>>
      %dma_wait3A_333 = tpu.memref_squeeze %dma_wait3A_332 : memref<1x128x1024xf32, #tpu.memory_space<vmem>> -> memref<128x1024xf32, #tpu.memory_space<vmem>>
      tpu.wait_dma2 semaphore(%dma_wait3A_326 : memref<!tpu.dma_semaphore, #tpu.memory_space<semaphore_mem>>) src(%dma_wait3A_333 : memref<128x1024xf32, #tpu.memory_space<vmem>>) dst(%dma_wait3A_329 : memref<128x1024xf32, #tpu.memory_space<hbm>>)
    } else {
    }
    return
  }
}

</mosaic_0001>

<sc_bundles>
// kernel: kernel.4.cloned.1.call-start
scs
__scs_entry_jumppad:
0x0: {  	(pc) =	sbr.rel $0x88, $3  }
0x1: {  	(tag) =	ssettag $0x0;
	lr =	simm.s32 $0x1  }
0x2: {  	[smem:$0x3F9E] =	sst lr;
	_ =	strace $0xD0000000  }
0x3: {  	_ = 	snop  }
0x4: {  	_ = 	snop  }
0x5: {  	_ = 	snop  }
0x6: {  	_ = 	snop  }
0x7: {  	_ = 	snop  }
__scs_overlays_trampoline_lowered:
0x8: {  	[smem:$0x3FAD] =	sst s0  }
0x9: {  	[smem:$0x3FAE] =	sst s1  }
0xa: {  	[smem:$0x3FAF] =	sst s2  }
0xb: {  	[smem:$0x3FB0] =	sst s3  }
0xc: {  	[smem:$0x3FB1] =	sst s4  }
0xd: {  	[smem:$0x3FB2] =	sst s5  }
0xe: {  	[smem:$0x3FB3] =	sst s6  }
0xf: {  	[smem:$0x3FB4] =	sst s7  }
0x10: {  	[smem:$0x3FB5] =	sst s8  }
0x11: {  	[smem:$0x3FB6] =	sst s9;
	s0 =	simm.s32 @!p0 $0x0  }
0x12: {  	s1 =	sld [smem:$0x3F9C];
	s0 =	simm.s32 @p0 $0x1  }
0x13: {  	[smem:$0x3FB7] =	sst s0;
	s0 =	simm.s32 @!p1 $0x0  }
0x14: {  	s2 =	sld [smem:$0x3F9B];
	s0 =	simm.s32 @p1 $0x1  }
0x15: {  	[smem:$0x3FB8] =	sst s0;
	s0 =	simm.s32 @!p2 $0x0  }
0x16: {  	s3 =	sld [smem:$0x3FDB];
	s0 =	simm.s32 @p2 $0x1  }
0x17: {  	s4 =	simm.s32 $0x1BF5;
	[smem:$0x3FBA] =	sst s0  }
0x18: {  	s0 =	sld [smem:$0x3F9D];
	_ =	swait.ge [sflag:s4], $0x0  }
0x19: {  	s7 =	sld [smem:$0x3F9E]  }
0x1a: {  	s8 =	sadd.s32 $0xFFFFE003, lr  }
0x1b: {  	s9 =	sadd.s32 $0xFFFFFEF7, lr;
	s5 =	simm.s32 $0xFFFFFFFF;
	p2 =	slt.u32 s8, $0xFFFFF086  }
0x1c: {  	p1 =	slt.u32 s9, $0xF7A;
	s5 =	simm.s32 @!p2 $0x0  }
0x1d: {  	s5 =	simm.s32 @p1 $0x1;
	p0 =	seq.s32 s7, s2  }
0x1e: {  	s7 =	smul.u32 @!p0 $0xF7A, s2;
	p2 =	seq.s32 @!p0 s5, $0x0  }
0x1f: {  	s9 =	smul.u32 $0xF7A, s1;
	s8 =	simm.s32 @!p0 $0x1BF5;
	p2 =	por !p2, p0  }
0x20: {  	[sflag:s8] =	ssyncset.s32 @!p0 $0xFFFFF086;
	s6 =	sadd.s32 @!p0 s3, s7;
	s7 =	simm.s32 @!p0 $0x108  }
0x21: {  	s3 =	sadd.s32 s3, s9;
	s6 =	sadd.s32 @!p0 $0x88, s6;
	s7 =	simm.s32 @p2 $0x1082  }
0x22: {  	[simem:s7], [sflag:s8] =	dma.local @!p0 [hbm:s6], $0xF7A  }
0x23: {  	s9 =	sor.u32 $0xD0000000, s2;
	s6 =	simm.s32 $0x108;
	_ =	swait.ge @!p0 [sflag:s8], $0x0  }
0x24: {  	s3 =	sadd.s32 $0x88, s3;
	s6 =	simm.s32 @!p1 $0x1082;
	[sflag:s4] =	ssyncset.s32 $0xFFFFF086  }
0x25: {  	[simem:s6], [sflag:s4] =	dma.local [hbm:s3], $0xF7A  }
0x26: {  	[smem:$0x3F9E] =	sst s1;
	(tag) =	ssettag s2;
	_ =	strace s9  }
0x27: {  	s1 =	sld [smem:$0x3FAE]  }
0x28: {  	s2 =	sld [smem:$0x3FAF]  }
0x29: {  	s4 =	sld [smem:$0x3FB1]  }
0x2a: {  	p0 =	seq.s32 s5, $0x0;
	s5 =	sld [smem:$0x3FB2]  }
0x2b: {  	s6 =	sld [smem:$0x3FB3]  }
0x2c: {  	s7 =	sld [smem:$0x3FB4]  }
0x2d: {  	s3 =	simm.s32 $0x108;
	s8 =	sld [smem:$0x3FB5]  }
0x2e: {  	s3 =	simm.s32 @!p0 $0x1082;
	s9 =	sld [smem:$0x3FB6]  }
0x2f: {  	lr =	sadd.s32 s0, s3;
	s0 =	sld [smem:$0x3FAD]  }
0x30: {  	s3 =	sld [smem:$0x3FB0]  }
0x31: {  	[smem:$0x3FB9] =	sst s10  }
0x32: {  	s10 =	sld [smem:$0x3FB7];
	_ =	sdelay $0x3  }
0x33: {  	p0 =	seq.s32 s10, $0x1;
	s10 =	sld [smem:$0x3FB9];
	_ =	sdelay $0x3  }
0x34: {  	[smem:$0x3FB9] =	sst s10  }
0x35: {  	s10 =	sld [smem:$0x3FB8];
	_ =	sdelay $0x3  }
0x36: {  	p1 =	seq.s32 s10, $0x1;
	s10 =	sld [smem:$0x3FB9];
	_ =	sdelay $0x3  }
0x37: {  	[smem:$0x3FB9] =	sst s10  }
0x38: {  	s10 =	sld [smem:$0x3FBA]  }
0x39: {  	_ = 	snop;
	(pc) =	sbr.ind lr, $3  }
0x3a: {  	_ = 	snop  }
0x3b: {  	_ = 	snop  }
0x3c: {  	p2 =	seq.s32 s10, $0x1;
	s10 =	sld [smem:$0x3FB9]  }
0x3d: {  	_ =	shalt  }
0x3e: {  	_ =	shalt  }
0x3f: {  	_ =	shalt  }
0x40: {  	_ =	shalt  }
0x41: {  	_ =	shalt  }
0x42: {  	_ =	shalt  }
0x43: {  	_ =	shalt  }
0x44: {  	_ =	shalt  }
0x45: {  	_ =	shalt  }
0x46: {  	_ =	shalt  }
0x47: {  	_ =	shalt  }
0x48: {  	_ =	shalt  }
0x49: {  	_ =	shalt  }
0x4a: {  	_ =	shalt  }
0x4b: {  	_ =	shalt  }
0x4c: {  	_ =	shalt  }
0x4d: {  	_ =	shalt  }
0x4e: {  	_ =	shalt  }
0x4f: {  	_ =	shalt  }
0x50: {  	_ =	shalt  }
0x51: {  	_ =	shalt  }
0x52: {  	_ =	shalt  }
0x53: {  	_ =	shalt  }
0x54: {  	_ =	shalt  }
0x55: {  	_ =	shalt  }
0x56: {  	_ =	shalt  }
0x57: {  	_ =	shalt  }
0x58: {  	_ =	shalt  }
0x59: {  	_ =	shalt  }
0x5a: {  	_ =	shalt  }
0x5b: {  	_ =	shalt  }
0x5c: {  	_ =	shalt  }
0x5d: {  	_ =	shalt  }
0x5e: {  	_ =	shalt  }
0x5f: {  	_ =	shalt  }
0x60: {  	_ =	shalt  }
0x61: {  	_ =	shalt  }
0x62: {  	_ =	shalt  }
0x63: {  	_ =	shalt  }
0x64: {  	_ =	shalt  }
0x65: {  	_ =	shalt  }
0x66: {  	_ =	shalt  }
0x67: {  	_ =	shalt  }
0x68: {  	_ =	shalt  }
0x69: {  	_ =	shalt  }
0x6a: {  	_ =	shalt  }
0x6b: {  	_ =	shalt  }
0x6c: {  	_ =	shalt  }
0x6d: {  	_ =	shalt  }
0x6e: {  	_ =	shalt  }
0x6f: {  	_ =	shalt  }
0x70: {  	_ =	shalt  }
0x71: {  	_ =	shalt  }
0x72: {  	_ =	shalt  }
0x73: {  	_ =	shalt  }
0x74: {  	_ =	shalt  }
0x75: {  	_ =	shalt  }
0x76: {  	_ =	shalt  }
0x77: {  	_ =	shalt  }
0x78: {  	_ =	shalt  }
0x79: {  	_ =	shalt  }
0x7a: {  	_ =	shalt  }
0x7b: {  	_ =	shalt  }
0x7c: {  	_ =	shalt  }
0x7d: {  	_ =	shalt  }
0x7e: {  	_ =	shalt  }
0x7f: {  	_ =	shalt  }
0x80: {  	_ =	shalt  }
0x81: {  	_ =	shalt  }
0x82: {  	_ =	shalt  }
0x83: {  	_ =	shalt  }
0x84: {  	_ =	shalt  }
0x85: {  	_ =	shalt  }
0x86: {  	_ =	shalt  }
0x87: {  	_ =	shalt  }
.Lfunc_end0:
.L_simem_size_0:
called_computation_lowered:
.L_overlay_start_0:
0x88: {  	s2 =	sld [smem:$0x3FD9]  }
0x89: {  	s3 =	sld [smem:$0x3FFE];
	_ =	sdelay $0x1  }
0x8a: {  	s1 =	srdreg.scid  }
0x8b: {  	s0 =	sand.u32 $0x1, s1  }
0x8c: {  	s17 =	sshll.u32 s0, $0xA;
	s2 =	sadd.s32 s3, s2  }
0x8d: {  	s2 =	sadd.s32 s2, s17  }
0x8e: {  	[smem:$0x3FC5] =	sst s2  }
0x8f: {  	_ = 	snop  }
0x90: {  	s2 =	sld [smem:$0x3FC9];
	(tm) =	ssettm $0x1  }
0x91: {  	s18 =	sld [smem:$0x3FFB];
	_ =	sdelay $0x3  }
0x92: {  	_ =	strace s18  }
0x93: {  	s3 =	sld [smem:$0x3FFC];
	_ =	sdelay $0x3  }
0x94: {  	_ =	strace s3  }
0x95: {  	s3 =	sld [smem:$0x3FFD];
	_ =	sdelay $0x3  }
0x96: {  	_ =	strace s3  }
0x97: {  	_ =	strace $0x8FFFFFFF  }
0x98: {  	s19 =	sld [smem:$0x3FDB];
	_ =	sdelay $0x1  }
0x99: {  	s4 =	simm.s32 $_scs_section_size  }
0x9a: {  	s5 =	simm.s32 $_size__tile_overlayer_lowered;
	s6 =	simm.s32 $_tile_overlayer_lowered  }
0x9b: {  	s22 =	simm.s32 $0x1BFF;
	s21 =	sshll.u32 s6, $0x1;
	s3 =	sadd.s32 s4, s19  }
0x9c: {  	s7 =	simm.s32 $0x0;
	s20 =	sshll.u32 s5, $0x1;
	s5 =	sadd.s32 s21, s3  }
0x9d: {  	[timem:s7], [sflag:s22] =	dma.local [hbm:s5], s20  }
0x9e: {  	_ =	swait.ge [sflag:s22], s20  }
0x9f: {  	s4 =	ssub.s32 $0x0, s20;
	[sflag:s22] =	ssyncset.done $0x0  }
0xa0: {  	[sflag:s22] =	ssyncadd.s32 s4;
	_ =	sdelay $0x1  }
0xa1: {  	s23 =	simm.s32 $0x1B8B  }
0xa2: {  	_ =	swait.ge [sflag:s23], $0x1  }
0xa3: {  	[sflag:s23] =	ssyncset.done $0x0  }
0xa4: {  	s25 =	simm.s32 $0x1B8E;
	s24 =	sld [smem:$0x3FFE];
	[sflag:s23] =	ssyncadd.s32 $0xFFFFFFFF  }
0xa5: {  	s26 =	simm.s32 $execute0_lowered;
	[smem:$0x3FD2] =	sst s25  }
0xa6: {  	s5 =	sshll.u32 s26, $0x1;
	_ =	strace $0x80000046;
	[dreg:$0x1] =	wrdreg $0xFFFFFFFF  }
0xa7: {  	s28 =	simm.s32 $_size_execute0_lowered;
	s3 =	sadd.s32 s3, s5;
	[dreg:$0x0] =	wrdreg $0x0  }
0xa8: {  	s5 =	sshll.u32 s28, $0x1;
	[dreg:$0x2] =	wrdreg s3  }
0xa9: {  	[dreg:$0x3] =	wrdreg s5  }
0xaa: {  	[dreg:$0x4] =	wrdreg $0xC0  }
0xab: {  	_ =	task [dreg:s7], $0x5FFFF  }
0xac: {  	[dreg:$0x1] =	wrdreg $0xFFFFFFFF  }
0xad: {  	[dreg:$0x0] =	wrdreg $0x60  }
0xae: {  	[dreg:$0x2] =	wrdreg s2  }
0xaf: {  	[dreg:$0x3] =	wrdreg s24  }
0xb0: {  	[dreg:$0x4] =	wrdreg $0x9  }
0xb1: {  	_ =	task.clear_ibuf [dreg:s7], $0x5FFFF;
	_ =	strace $0x90000046  }
0xb2: {  	s29 =	simm.s32 $0x9;
	_ =	strace $0x80000048  }
0xb3: {  	_ =	swait.ge [sflag:s29], $0x1  }
0xb4: {  	[sflag:s29] =	ssyncadd.s32 $0xFFFFFFFF  }
0xb5: {  	_ =	strace $0x90000048  }
0xb6: {  	_ =	sfence  }
0xb7: {  	s30 =	sld [smem:$0x0];
	_ =	sdelay $0x2  }
0xb8: {  	s31 =	sshll.u32 s1, $0xD;
	s1 =	sshrl.u32 s1, $0x2  }
0xb9: {  	s3 =	sand.u32 $0x4000, s31;
	s1 =	sadd.s32 s1, s30  }
0xba: {  	s0 =	sor.u32 s3, s0;
	s1 =	sshll.u32 s1, $0x11  }
0xbb: {  	s0 =	sor.u32 s1, s0  }
0xbc: {  	s0 =	sadd.s32 $0x8F2B, s0  }
0xbd: {  	[sflag:s0] =	ssyncadd.remote.s32 $0x1  }
0xbe: {  	_ =	sfence.sel $0xFFFF  }
0xbf: {  	[dreg:$0x0] =	wrdreg $0xFFFFFFFF;
	(pc) =	sbr.abs _section_cstart, $3  }
0xc0: {  	[dreg:$0x1] =	wrdreg $0xFFFFFFFF  }
0xc1: {  	_ =	task.clear_ibuf [dreg:s7], $0x2FFFF;
	_ =	strace $0x9FFFFFFF  }
0xc2: {  	(tm) =	ssettm $0x7FFFFFFF  }
0xc3: {  	_ =	shalt  }
tec
execute0_lowered:
.L_overlay_start_1:
0x0: {  	(tag) =	ssettag $0x1  }
0x1: {  	s1 =	srdreg.scid  }
0x2: {  	s3 =	rddreg [dreg:$0x0];
	s0 =	stileid.u32;
	s6 =	sand.u32 $0x1, s1  }
0x3: {  	s9 =	rddreg [dreg:$0x1];
	s4 =	sshll.u32 s0, $0x6;
	s5 =	sshll.u32 s6, $0x5  }
0x4: {  	s2 =	simm.s32 $0x0;
	s1 =	rddreg [dreg:$0x2];
	s10 =	sor.u32 s5, s4  }
0x5: {  	[smem:$0x7FF] =	sst s2;
	s4 =	sshrl.u32 s10, $0x3  }
0x6: {  	_ =	strace $0x80000047;
	s4 =	sadd.s32 s3, s4;
	s3 =	simm.s32 $0x2  }
0x7: {  	[tilespmem:s2], [sflag:$0x2] =	stream.linear.gather [hbm4b:s4+s2], $0x20, $0x38;
	[tilespmem:$0x1080] =	vst v63  }
0x8: {  	_ =	swait.ge [sflag:s3], $0x20  }
0x9: {  	[sflag:s3] =	ssyncset.done $0x0  }
0xa: {  	[sflag:s3] =	ssyncadd.s32 $0xFFFFFFE0  }
0xb: {  	v0 =	vld [tilespmem:$0x0]  }
0xc: {  	v1 =	vld [tilespmem:$0x10];
	_ =	sdelay $0x1  }
0xd: {  	s11 =	ssub.s32 $0x2, s6  }
0xe: {  	s12 =	sshrl.u32 s11, $0x1  }
0xf: {  	s7 =	simm.s32 $0x80;
	s10 =	sshll.u32 s10, $0x4;
	s31 =	ssub.s32 s11, s12;
	v0 =	vshrl.u32 v0, $0x1  }
0x10: {  	s5 =	sadd.s32 $0x800, s9;
	s9 =	sadd.s32 s10, s9;
	s10 =	smax.u32 s31, $0x1;
	v63 =	vshrl.u32 v1, $0x1;
	[tilespmem:$0x0] =	vst v0  }
0x11: {  	s8 =	simm.s32 $0x1;
	s6 =	simm.s32 $0x20;
	p0 =	sne.s32 s10, $0x1;
	[tilespmem:$0x10] =	vst v63  }
0x12: {  	[tilespmem:s7], [sflag:$0x1] =	stream.indirect.gather [hbm4b:s5+s6], $0x80, s2, s6, $0xb8;
	[tilespmem:$0x1080] =	vst v63  }
.Ltmp0:
0x13: {  	_ =	swait.ge [sflag:s8], $0x1000;
	(pc) =	sbr.rel @!p0 .LBB2_2-.Ltmp0, $4  }
0x14: {  	[sflag:s8] =	ssyncset.done $0x0  }
0x15: {  	s9 =	sadd.s32 $0xC3E00, s9;
	[sflag:s8] =	ssyncadd.s32 $0xFFFFF000  }
0x16: {  	[hbm4b:s9+s2] =	stream.linear.scatter [tilespmem:s7], [sflag:$0x2], $0x1000, $0x38;
	[tilespmem:$0x1080] =	vst v63  }
0x17: {  	s10 =	sadd.s32 $0xFFFFFFFF, s10;
	_ =	swait.ge [sflag:s3], $0x1000  }
.LBB2_1:
0x18: {  	p0 =	sne.s32 s10, $0x1;
	s10 =	sadd.s32 $0xFFFFFFFF, s10;
	[sflag:s3] =	ssyncset.done $0x0  }
0x19: {  	[sflag:s3] =	ssyncadd.s32 $0xFFFFF000  }
0x1a: {  	[tilespmem:s2], [sflag:$0x2] =	stream.linear.gather [hbm4b:s4+s2], $0x20, $0x38;
	[tilespmem:$0x1080] =	vst v63  }
0x1b: {  	_ =	swait.ge [sflag:s3], $0x20  }
0x1c: {  	[sflag:s3] =	ssyncset.done $0x0  }
0x1d: {  	[sflag:s3] =	ssyncadd.s32 $0xFFFFFFE0  }
0x1e: {  	v0 =	vld [tilespmem:$0x0]  }
0x1f: {  	v1 =	vld [tilespmem:$0x10];
	_ =	sdelay $0x3  }
0x20: {  	v0 =	vshrl.u32 v0, $0x1  }
0x21: {  	[tilespmem:$0x0] =	vst v0;
	v0 =	vshrl.u32 v1, $0x1  }
0x22: {  	[tilespmem:$0x10] =	vst v0  }
0x23: {  	[tilespmem:s7], [sflag:$0x1] =	stream.indirect.gather [hbm4b:s5+s6], $0x80, s2, s6, $0xb8;
	[tilespmem:$0x1080] =	vst v63  }
.Ltmp1:
0x24: {  	_ =	swait.ge [sflag:s8], $0x1000;
	(pc) =	sbr.rel @p0 .LBB2_1-.Ltmp1, $4  }
0x25: {  	[sflag:s8] =	ssyncset.done $0x0  }
0x26: {  	[sflag:s8] =	ssyncadd.s32 $0xFFFFF000  }
0x27: {  	[hbm4b:s9+s2] =	stream.linear.scatter [tilespmem:s7], [sflag:$0x2], $0x1000, $0x38;
	[tilespmem:$0x1080] =	vst v63  }
0x28: {  	_ =	swait.ge [sflag:s3], $0x1000  }
.LBB2_2:
0x29: {  	[sflag:s3] =	ssyncset.done $0x0  }
0x2a: {  	[sflag:s3] =	ssyncadd.s32 $0xFFFFF000  }
0x2b: {  	_ =	sfence.sel $0x180000  }
0x2c: {  	[bflag:$0x0] =	sbarrier.arrive $0xFFFF  }
0x2d: {  	p0 =	sne.s32 s0, $0x0;
	_ =	strace $0x90000047  }
0x2e: {  	s0 =	sadd.s32 @!p0 $0x100000, s1;
	[bflag:$0x2] =	sbarrier.arrive $0xFFFF  }
0x2f: {  	[sflag:s0] =	ssyncadd.tile.s32 @!p0 $0x1;
	_ =	shalt  }
.Lfunc_end2:
_tile_overlayer_lowered:
.L_overlay_start_2:
0x30: {  	(tag) =	ssettag $0x2  }
0x31: {  	s0 =	rddreg [dreg:$0x0];
	s2 =	stileid.u32  }
0x32: {  	s1 =	rddreg [dreg:$0x1];
	p0 =	sne.s32 s2, $0x0  }
0x33: {  	s3 =	rddreg [dreg:$0x2];
	[bflag:$0x3] =	sbarrier.arrive $0xFFFF;
	s2 =	simm.s32 @!p0 $0x1C02  }
0x34: {  	[timem:s3], [sflag:s2] =	dma.local @!p0 [hbm:s0], s1  }
0x35: {  	s0 =	simm.s32 @!p0 $0x2  }
0x36: {  	_ =	swait.ge @!p0 [sflag:s0], s1  }
0x37: {  	s1 =	ssub.s32 @!p0 $0x0, s1;
	[sflag:s0] =	ssyncset.done @!p0 $0x0  }
0x38: {  	[sflag:s0] =	ssyncadd.s32 @!p0 s1  }
0x39: {  	[bflag:$0x3] =	sbarrier.arrive $0xFFFF  }
0x3a: {  	_ =	shalt  }

</sc_bundles>
